<compile_context>
chip_gen: v7x
topology: tpu7x:2x2x1
jax: 0.10.2.dev20260603
libtpu: 0.0.44.dev20260713+nightly
codegen_flags: <defaults>
</compile_context>

<pallas_src>
import jax
import jax.numpy as jnp
from jax import lax
from jax.experimental import pallas as pl
from jax.experimental.pallas import tpu as pltpu
from jax.experimental.pallas import tpu_sc as plsc

MD = 768
NE = 16
NT = 1024
HD = 2 * MD
NP = 2 * NT
BS = 256
NB = NP // BS + NE
NR = NB * BS

MD2 = MD // 2

NC = 2
NS = 16
NW = NC * NS
CH = NP // NW


def _pack(a, b):
    au = lax.bitcast_convert_type(
        a.astype(jnp.bfloat16).astype(jnp.float32), jnp.uint32)
    bu = lax.bitcast_convert_type(
        b.astype(jnp.bfloat16).astype(jnp.float32), jnp.uint32)
    w = (au >> 16) | (bu & jnp.uint32(0xFFFF0000))
    return lax.bitcast_convert_type(w, jnp.float32)


def _unpack(p):
    u = lax.bitcast_convert_type(p, jnp.uint32)
    a = lax.bitcast_convert_type(u << 16, jnp.float32)
    b = lax.bitcast_convert_type(u & jnp.uint32(0xFFFF0000), jnp.float32)
    return a, b


def _gate_body(x_ref, wg_ref, logits_ref, topidx_ref, wts_ref, pos_ref,
               be_ref, nb_ref, xp_ref):
    x = x_ref[...]
    xp_ref[...] = _pack(x[:, :MD2], x[:, MD2:])
    logits = jnp.dot(x, wg_ref[...], preferred_element_type=jnp.float32)
    logits_ref[...] = logits
    col = lax.broadcasted_iota(jnp.int32, (NT, NE), 1)
    m1 = jnp.max(logits, axis=1, keepdims=True)
    a1 = jnp.min(jnp.where(logits == m1, col, NE), axis=1, keepdims=True)
    masked = jnp.where(col == a1, -jnp.inf, logits)
    m2 = jnp.max(masked, axis=1, keepdims=True)
    a2 = jnp.min(jnp.where(masked == m2, col, NE), axis=1, keepdims=True)
    e2 = jnp.exp(m2 - m1)
    s = 1.0 + e2
    topidx_ref[...] = jnp.concatenate([a1, a2], axis=1)
    wts_ref[...] = jnp.concatenate([1.0 / s, e2 / s], axis=1)

    onehot = jnp.concatenate([col == a1, col == a2], axis=0)
    onehot = onehot.astype(jnp.float32)
    CS = 256
    r = lax.broadcasted_iota(jnp.int32, (CS, CS), 0)
    c = lax.broadcasted_iota(jnp.int32, (CS, CS), 1)
    ltri = (r >= c).astype(jnp.float32)
    parts = []
    carry = jnp.zeros((1, NE), jnp.float32)
    for ci in range(NP // CS):
        rc = jnp.dot(ltri, onehot[ci * CS:(ci + 1) * CS, :],
                     preferred_element_type=jnp.float32,
                     precision=lax.Precision.DEFAULT) + carry
        parts.append(rc)
        carry = rc[CS - 1:CS, :]
    csum = jnp.concatenate(parts, axis=0)
    counts = carry
    padded = jnp.floor((counts + (BS - 1)) / BS) * BS
    er = lax.broadcasted_iota(jnp.int32, (NE, NE), 0)
    ec = lax.broadcasted_iota(jnp.int32, (NE, NE), 1)
    stri = (er < ec).astype(jnp.float32)
    offs = jnp.dot(padded, stri, preferred_element_type=jnp.float32)
    total = jnp.sum(padded, axis=1, keepdims=True)
    rank = jnp.sum(onehot * csum, axis=1, keepdims=True)
    roff = jnp.sum(onehot * offs, axis=1, keepdims=True)
    posv = (rank - 1.0 + roff).astype(jnp.int32)
    pos_ref[...] = posv.reshape(NP // 128, 128)
    brow = lax.broadcasted_iota(jnp.int32, (NB, 1), 0).astype(jnp.float32) * BS
    pos_b = jnp.minimum(brow, total - BS)
    be_ref[...] = jnp.sum((offs <= pos_b).astype(jnp.int32), axis=1,
                          keepdims=True) - 1
    nb_ref[...] = (total / BS).astype(jnp.int32)


def _gate(x, w_gate):
    return pl.pallas_call(
        _gate_body,
        out_shape=[
            jax.ShapeDtypeStruct((NT, NE), jnp.float32),
            jax.ShapeDtypeStruct((NT, 2), jnp.int32),
            jax.ShapeDtypeStruct((NT, 2), jnp.float32),
            jax.ShapeDtypeStruct((NP // 128, 128), jnp.int32),
            jax.ShapeDtypeStruct((NB, 1), jnp.int32),
            jax.ShapeDtypeStruct((1, 1), jnp.int32),
            jax.ShapeDtypeStruct((NT, MD2), jnp.float32),
        ],
    )(x, w_gate)


def _dispatch_body(x_hbm, p_hbm, xd_hbm, idx_v, rows_v, sem):
    wid = lax.axis_index("s") * NC + lax.axis_index("c")
    base = wid * CH
    tbase = lax.rem(base, NT)
    pltpu.sync_copy(p_hbm.at[pl.ds(base, CH)], idx_v)
    pltpu.sync_copy(x_hbm.at[pl.ds(tbase, CH)], rows_v)
    pltpu.async_copy(rows_v, xd_hbm.at[idx_v], sem).wait()


def _sc_mesh():
    return plsc.VectorSubcoreMesh(core_axis_name="c", subcore_axis_name="s",
                                  num_cores=NC, num_subcores=NS)


def _dispatch(x, pflat):
    return pl.kernel(
        _dispatch_body,
        out_type=jax.ShapeDtypeStruct((NR, MD2), jnp.float32),
        mesh=_sc_mesh(),
        scratch_types=[
            pltpu.VMEM((CH,), jnp.int32),
            pltpu.VMEM((CH, MD2), jnp.float32),
            pltpu.SemaphoreType.DMA,
        ],
    )(x, pflat)


def _experts_body(be_ref, nb_ref, xb_ref, w1_ref, b1_ref, w2_ref, b2_ref,
                  o_ref):
    b = pl.program_id(0)

    @pl.when(b < nb_ref[0])
    def _():
        xa, xb = _unpack(xb_ref[...])
        xf = jnp.concatenate([xa, xb], axis=1)
        e = be_ref[b]
        h = (jnp.dot(xf, w1_ref[0], preferred_element_type=jnp.float32,
                     precision=lax.Precision.DEFAULT)
             + b1_ref[pl.ds(e, 1), :])
        h = jnp.maximum(h, 0.0)
        y = (jnp.dot(h, w2_ref[0], preferred_element_type=jnp.float32,
                     precision=lax.Precision.DEFAULT)
             + b2_ref[pl.ds(e, 1), :])
        o_ref[...] = _pack(y[:, :MD2], y[:, MD2:])


def _experts(be, nb, xd, W1, b1, W2, b2):
    grid_spec = pltpu.PrefetchScalarGridSpec(
        num_scalar_prefetch=2,
        grid=(NB,),
        in_specs=[
            pl.BlockSpec((BS, MD2),
                         lambda b, be, nb: (jnp.minimum(b, nb[0] - 1), 0)),
            pl.BlockSpec((1, MD, HD), lambda b, be, nb: (be[b], 0, 0)),
            pl.BlockSpec((NE, HD), lambda b, be, nb: (0, 0)),
            pl.BlockSpec((1, HD, MD), lambda b, be, nb: (be[b], 0, 0)),
            pl.BlockSpec((NE, MD), lambda b, be, nb: (0, 0)),
        ],
        out_specs=pl.BlockSpec(
            (BS, MD2), lambda b, be, nb: (jnp.minimum(b, nb[0] - 1), 0)),
    )
    return pl.pallas_call(
        _experts_body,
        grid_spec=grid_spec,
        out_shape=jax.ShapeDtypeStruct((NR, MD2), jnp.float32),
    )(be, nb, xd, W1, b1, W2, b2)


def _gather_body(yd_hbm, p_hbm, g_hbm, idx_v, rows_v, sem):
    wid = lax.axis_index("s") * NC + lax.axis_index("c")
    base = wid * CH
    pltpu.sync_copy(p_hbm.at[pl.ds(base, CH)], idx_v)
    pltpu.async_copy(yd_hbm.at[idx_v], rows_v, sem).wait()
    pltpu.sync_copy(rows_v, g_hbm.at[pl.ds(base, CH)])


def _gather(yd, pflat):
    return pl.kernel(
        _gather_body,
        out_type=jax.ShapeDtypeStruct((NP, MD2), jnp.float32),
        mesh=_sc_mesh(),
        scratch_types=[
            pltpu.VMEM((CH,), jnp.int32),
            pltpu.VMEM((CH, MD2), jnp.float32),
            pltpu.SemaphoreType.DMA,
        ],
    )(yd, pflat)


def _combine_body(g_ref, w_ref, o_ref):
    ga, gb = _unpack(g_ref[...])
    g = jnp.concatenate([ga, gb], axis=1)
    o_ref[...] = w_ref[:, 0:1] * g[:NT, :] + w_ref[:, 1:2] * g[NT:, :]


def _combine(g, wts):
    return pl.pallas_call(
        _combine_body,
        out_shape=jax.ShapeDtypeStruct((NT, MD), jnp.float32),
    )(g, wts)


def kernel(x, w_gate, W1, b1, W2, b2):
    logits, top_idx, wts, pos, be, nb, xp = _gate(x, w_gate)
    pflat = pos.reshape(NP)
    xd = _dispatch(xp, pflat)
    yd = _experts(be.reshape(NB), nb.reshape(1), xd, W1, b1, W2, b2)
    g = _gather(yd, pflat)
    out = _combine(g, wts)
    return out, logits, top_idx

# --- scband reference (transcript-rebuilt; emitter-appended) ---
"""Pipeline reference for scband-mo-elayer-2886218023254 (READ-ONLY COPY).

The authoritative reference and input builder live on the scoring server;
editing this copy changes nothing except your own understanding.
"""

import jax, jax.numpy as jnp
import numpy as np

MODEL_DIM = 768
NUM_EXPERTS = 16
TOP_K = 2
N_TOKENS = 1024


def setup_inputs(seed: int = 0) -> dict:
    key = jax.random.key(seed)
    ks = jax.random.split(key, 6)
    x = jax.random.normal(ks[0], (N_TOKENS, MODEL_DIM), dtype=jnp.float32)
    # Gating network weight (NoisyTopKGating clean-logits path: x @ w_gate)
    w_gate = jax.random.normal(ks[1], (MODEL_DIM, NUM_EXPERTS), dtype=jnp.float32) * 0.02
    # Per-expert MLP: Linear(d, 2d) -> ReLU -> Linear(2d, d)
    W1 = jax.random.normal(ks[2], (NUM_EXPERTS, MODEL_DIM, 2 * MODEL_DIM), dtype=jnp.float32) * 0.02
    b1 = jnp.zeros((NUM_EXPERTS, 2 * MODEL_DIM), dtype=jnp.float32)
    W2 = jax.random.normal(ks[3], (NUM_EXPERTS, 2 * MODEL_DIM, MODEL_DIM), dtype=jnp.float32) * 0.02
    b2 = jnp.zeros((NUM_EXPERTS, MODEL_DIM), dtype=jnp.float32)
    return {"x": x, "w_gate": w_gate, "W1": W1, "b1": b1, "W2": W2, "b2": b2}


def reference(x, w_gate, W1, b1, W2, b2):
    # Gating: clean logits -> top-k -> softmax over the top-k logits (combined weights)
    clean_logits = x @ w_gate                       # [B, E]
    top_vals, top_idx = jax.lax.top_k(clean_logits, TOP_K)  # [B, k], [B, k]
    combined_weights = jax.nn.softmax(top_vals, axis=-1)     # [B, k]

    # Expert dispatch. The torch loop gathers x[sample_mask] per expert and
    # scatter-adds weighted expert outputs back. Mathematically equivalent dense
    # form: every non-selected (token, expert) pair has weight exactly 0, so we
    # weight each expert's output by sum_k combined_weights * (top_idx == e).
    moe_output = jnp.zeros_like(x)
    for e in range(NUM_EXPERTS):
        expert_mask = (top_idx == e).astype(x.dtype)              # [B, k]
        expert_weights = jnp.sum(combined_weights * expert_mask, axis=-1)  # [B]
        h = jax.nn.relu(x @ W1[e] + b1[e]) @ W2[e] + b2[e]        # [B, d]
        moe_output = moe_output + h * expert_weights[:, None]
    return moe_output, clean_logits, top_idx

if __name__ == "__main__":
    import jax
    _d = setup_inputs()
    print(jax.jit(kernel)(*tuple(_d.values())))

</pallas_src>

<mosaic_0001>
#map = affine_map<(d0, d1) -> (0, 0)>
#map1 = affine_map<(d0, d1) -> (0)>
module attributes {stable_mosaic.version = 14 : i64} {
  func.func @_gather_body(%arg0: i32, %arg1: i32, %arg2: memref<6144x384xf32, #tpu.memory_space<hbm>>, %arg3: memref<2048xi32, #tpu.memory_space<hbm>>, %arg4: memref<2048x384xf32, #tpu.memory_space<hbm>>, %arg5: memref<64xi32, #tpu.memory_space<vmem>>, %arg6: memref<64x384xf32, #tpu.memory_space<vmem>>, %arg7: memref<!tpu.dma_semaphore, #tpu.memory_space<semaphore_mem>>) attributes {dimension_semantics = [#tpu.dimension_semantics<core_parallel>, #tpu.dimension_semantics<subcore_parallel>], iteration_bounds = array<i64: 2, 16>, scalar_prefetch = 0 : i64, scratch_operands = 3 : i64, tpu.core_type = #tpu.core_type<sc_vector_subcore>, window_params = [{transform_indices = #map}, {transform_indices = #map1}, {transform_indices = #map}]} {
    %mul3A = arith.constant 2 : i32
    %mul3A_0 = arith.muli %arg1, %mul3A : i32
    %add3A = arith.addi %mul3A_0, %arg0 : i32
    %mul3A_1 = arith.constant 64 : i32
    %mul3A_2 = arith.muli %add3A, %mul3A_1 : i32
    "tpu.region"() ({
      %run_scoped3A = tpu.sem_alloc : memref<!tpu.dma_semaphore, #tpu.memory_space<semaphore_mem>>
      %dma_start3A_7 = tpu.memref_slice %arg3[%mul3A_2] : memref<2048xi32, #tpu.memory_space<hbm>> -> memref<64xi32, #tpu.memory_space<hbm>>
      %dma_start3A_8 = tpu.memref_slice %arg3[%mul3A_2] : memref<2048xi32, #tpu.memory_space<hbm>> -> memref<64xi32, #tpu.memory_space<hbm>>
      tpu.enqueue_dma source(%dma_start3A_8 : memref<64xi32, #tpu.memory_space<hbm>>) target(%arg5 : memref<64xi32, #tpu.memory_space<vmem>>) target_semaphore(%run_scoped3A : memref<!tpu.dma_semaphore, #tpu.memory_space<semaphore_mem>>)
      %dma_wait3A_9 = tpu.memref_slice %arg3[%mul3A_2] : memref<2048xi32, #tpu.memory_space<hbm>> -> memref<64xi32, #tpu.memory_space<hbm>>
      %dma_wait3A_10 = tpu.memref_slice %arg3[%mul3A_2] : memref<2048xi32, #tpu.memory_space<hbm>> -> memref<64xi32, #tpu.memory_space<hbm>>
      tpu.wait_dma2 semaphore(%run_scoped3A : memref<!tpu.dma_semaphore, #tpu.memory_space<semaphore_mem>>) src(%dma_wait3A_10 : memref<64xi32, #tpu.memory_space<hbm>>) dst(%arg5 : memref<64xi32, #tpu.memory_space<vmem>>)
      tpu.yield
    }) : () -> ()
    %dma_start3A = arith.constant 0 : i32
    %dma_start3A_3 = arith.constant 0 : i32
    %dma_start3A_4 = tpu.memref_slice %arg2[%dma_start3A, %dma_start3A_3] : memref<6144x384xf32, #tpu.memory_space<hbm>> -> memref<6144x384xf32, #tpu.memory_space<hbm>>
    tpu.enqueue_indirect_dma source(%dma_start3A_4 : memref<6144x384xf32, #tpu.memory_space<hbm>>) target(%arg6 : memref<64x384xf32, #tpu.memory_space<vmem>>) offsets(%arg5 : memref<64xi32, #tpu.memory_space<vmem>>) semaphore(%arg7 : memref<!tpu.dma_semaphore, #tpu.memory_space<semaphore_mem>>)
    %dma_wait3A = arith.constant 0 : i32
    %dma_wait3A_5 = arith.constant 0 : i32
    %dma_wait3A_6 = tpu.memref_slice %arg2[%dma_wait3A, %dma_wait3A_5] : memref<6144x384xf32, #tpu.memory_space<hbm>> -> memref<6144x384xf32, #tpu.memory_space<hbm>>
    tpu.wait_indirect_dma semaphore(%arg7 : memref<!tpu.dma_semaphore, #tpu.memory_space<semaphore_mem>>) src(%dma_wait3A_6 : memref<6144x384xf32, #tpu.memory_space<hbm>>) dst(%arg6 : memref<64x384xf32, #tpu.memory_space<vmem>>)
    "tpu.region"() ({
      %run_scoped3A = tpu.sem_alloc : memref<!tpu.dma_semaphore, #tpu.memory_space<semaphore_mem>>
      %dma_start3A_7 = arith.constant 0 : i32
      %dma_start3A_8 = tpu.memref_slice %arg4[%mul3A_2, %dma_start3A_7] : memref<2048x384xf32, #tpu.memory_space<hbm>> -> memref<64x384xf32, #tpu.memory_space<hbm>>
      %dma_start3A_9 = arith.constant 0 : i32
      %dma_start3A_10 = tpu.memref_slice %arg4[%mul3A_2, %dma_start3A_9] : memref<2048x384xf32, #tpu.memory_space<hbm>> -> memref<64x384xf32, #tpu.memory_space<hbm>>
      tpu.enqueue_dma source(%arg6 : memref<64x384xf32, #tpu.memory_space<vmem>>) target(%dma_start3A_10 : memref<64x384xf32, #tpu.memory_space<hbm>>) target_semaphore(%run_scoped3A : memref<!tpu.dma_semaphore, #tpu.memory_space<semaphore_mem>>)
      %dma_wait3A_11 = arith.constant 0 : i32
      %dma_wait3A_12 = tpu.memref_slice %arg4[%mul3A_2, %dma_wait3A_11] : memref<2048x384xf32, #tpu.memory_space<hbm>> -> memref<64x384xf32, #tpu.memory_space<hbm>>
      %dma_wait3A_13 = arith.constant 0 : i32
      %dma_wait3A_14 = tpu.memref_slice %arg4[%mul3A_2, %dma_wait3A_13] : memref<2048x384xf32, #tpu.memory_space<hbm>> -> memref<64x384xf32, #tpu.memory_space<hbm>>
      tpu.wait_dma2 semaphore(%run_scoped3A : memref<!tpu.dma_semaphore, #tpu.memory_space<semaphore_mem>>) src(%arg6 : memref<64x384xf32, #tpu.memory_space<vmem>>) dst(%dma_wait3A_14 : memref<64x384xf32, #tpu.memory_space<hbm>>)
      tpu.yield
    }) : () -> ()
    return
  }
}

#map = affine_map<(d0, d1) -> (0, 0)>
#map1 = affine_map<(d0, d1) -> (0)>
module attributes {stable_mosaic.version = 14 : i64} {
  func.func @_dispatch_body(%arg0: i32, %arg1: i32, %arg2: memref<1024x384xf32, #tpu.memory_space<hbm>>, %arg3: memref<2048xi32, #tpu.memory_space<hbm>>, %arg4: memref<6144x384xf32, #tpu.memory_space<hbm>>, %arg5: memref<64xi32, #tpu.memory_space<vmem>>, %arg6: memref<64x384xf32, #tpu.memory_space<vmem>>, %arg7: memref<!tpu.dma_semaphore, #tpu.memory_space<semaphore_mem>>) attributes {dimension_semantics = [#tpu.dimension_semantics<core_parallel>, #tpu.dimension_semantics<subcore_parallel>], iteration_bounds = array<i64: 2, 16>, scalar_prefetch = 0 : i64, scratch_operands = 3 : i64, tpu.core_type = #tpu.core_type<sc_vector_subcore>, window_params = [{transform_indices = #map}, {transform_indices = #map1}, {transform_indices = #map}]} {
    %mul3A = arith.constant 2 : i32
    %mul3A_0 = arith.muli %arg1, %mul3A : i32
    %add3A = arith.addi %mul3A_0, %arg0 : i32
    %mul3A_1 = arith.constant 64 : i32
    %mul3A_2 = arith.muli %add3A, %mul3A_1 : i32
    %rem3A = arith.constant 1024 : i32
    %rem3A_3 = arith.remsi %mul3A_2, %rem3A : i32
    "tpu.region"() ({
      %run_scoped3A = tpu.sem_alloc : memref<!tpu.dma_semaphore, #tpu.memory_space<semaphore_mem>>
      %dma_start3A_8 = tpu.memref_slice %arg3[%mul3A_2] : memref<2048xi32, #tpu.memory_space<hbm>> -> memref<64xi32, #tpu.memory_space<hbm>>
      %dma_start3A_9 = tpu.memref_slice %arg3[%mul3A_2] : memref<2048xi32, #tpu.memory_space<hbm>> -> memref<64xi32, #tpu.memory_space<hbm>>
      tpu.enqueue_dma source(%dma_start3A_9 : memref<64xi32, #tpu.memory_space<hbm>>) target(%arg5 : memref<64xi32, #tpu.memory_space<vmem>>) target_semaphore(%run_scoped3A : memref<!tpu.dma_semaphore, #tpu.memory_space<semaphore_mem>>)
      %dma_wait3A_10 = tpu.memref_slice %arg3[%mul3A_2] : memref<2048xi32, #tpu.memory_space<hbm>> -> memref<64xi32, #tpu.memory_space<hbm>>
      %dma_wait3A_11 = tpu.memref_slice %arg3[%mul3A_2] : memref<2048xi32, #tpu.memory_space<hbm>> -> memref<64xi32, #tpu.memory_space<hbm>>
      tpu.wait_dma2 semaphore(%run_scoped3A : memref<!tpu.dma_semaphore, #tpu.memory_space<semaphore_mem>>) src(%dma_wait3A_11 : memref<64xi32, #tpu.memory_space<hbm>>) dst(%arg5 : memref<64xi32, #tpu.memory_space<vmem>>)
      tpu.yield
    }) : () -> ()
    "tpu.region"() ({
      %run_scoped3A = tpu.sem_alloc : memref<!tpu.dma_semaphore, #tpu.memory_space<semaphore_mem>>
      %dma_start3A_8 = arith.constant 0 : i32
      %dma_start3A_9 = tpu.memref_slice %arg2[%rem3A_3, %dma_start3A_8] : memref<1024x384xf32, #tpu.memory_space<hbm>> -> memref<64x384xf32, #tpu.memory_space<hbm>>
      %dma_start3A_10 = arith.constant 0 : i32
      %dma_start3A_11 = tpu.memref_slice %arg2[%rem3A_3, %dma_start3A_10] : memref<1024x384xf32, #tpu.memory_space<hbm>> -> memref<64x384xf32, #tpu.memory_space<hbm>>
      tpu.enqueue_dma source(%dma_start3A_11 : memref<64x384xf32, #tpu.memory_space<hbm>>) target(%arg6 : memref<64x384xf32, #tpu.memory_space<vmem>>) target_semaphore(%run_scoped3A : memref<!tpu.dma_semaphore, #tpu.memory_space<semaphore_mem>>)
      %dma_wait3A_12 = arith.constant 0 : i32
      %dma_wait3A_13 = tpu.memref_slice %arg2[%rem3A_3, %dma_wait3A_12] : memref<1024x384xf32, #tpu.memory_space<hbm>> -> memref<64x384xf32, #tpu.memory_space<hbm>>
      %dma_wait3A_14 = arith.constant 0 : i32
      %dma_wait3A_15 = tpu.memref_slice %arg2[%rem3A_3, %dma_wait3A_14] : memref<1024x384xf32, #tpu.memory_space<hbm>> -> memref<64x384xf32, #tpu.memory_space<hbm>>
      tpu.wait_dma2 semaphore(%run_scoped3A : memref<!tpu.dma_semaphore, #tpu.memory_space<semaphore_mem>>) src(%dma_wait3A_15 : memref<64x384xf32, #tpu.memory_space<hbm>>) dst(%arg6 : memref<64x384xf32, #tpu.memory_space<vmem>>)
      tpu.yield
    }) : () -> ()
    %dma_start3A = arith.constant 0 : i32
    %dma_start3A_4 = arith.constant 0 : i32
    %dma_start3A_5 = tpu.memref_slice %arg4[%dma_start3A, %dma_start3A_4] : memref<6144x384xf32, #tpu.memory_space<hbm>> -> memref<6144x384xf32, #tpu.memory_space<hbm>>
    tpu.enqueue_indirect_dma source(%arg6 : memref<64x384xf32, #tpu.memory_space<vmem>>) target(%dma_start3A_5 : memref<6144x384xf32, #tpu.memory_space<hbm>>) offsets(%arg5 : memref<64xi32, #tpu.memory_space<vmem>>) semaphore(%arg7 : memref<!tpu.dma_semaphore, #tpu.memory_space<semaphore_mem>>)
    %dma_wait3A = arith.constant 0 : i32
    %dma_wait3A_6 = arith.constant 0 : i32
    %dma_wait3A_7 = tpu.memref_slice %arg4[%dma_wait3A, %dma_wait3A_6] : memref<6144x384xf32, #tpu.memory_space<hbm>> -> memref<6144x384xf32, #tpu.memory_space<hbm>>
    tpu.wait_indirect_dma semaphore(%arg7 : memref<!tpu.dma_semaphore, #tpu.memory_space<semaphore_mem>>) src(%arg6 : memref<64x384xf32, #tpu.memory_space<vmem>>) dst(%dma_wait3A_7 : memref<6144x384xf32, #tpu.memory_space<hbm>>)
    return
  }
}

module attributes {stable_mosaic.version = 14 : i64} {
  func.func @_experts_body(%arg0: i32, %arg1: memref<24xi32, #tpu.memory_space<smem>>, %arg2: memref<1xi32, #tpu.memory_space<smem>>, %arg3: memref<256x384xf32, #tpu.memory_space<vmem>>, %arg4: memref<1x768x1536xf32, #tpu.memory_space<vmem>>, %arg5: memref<16x1536xf32, #tpu.memory_space<vmem>>, %arg6: memref<1x1536x768xf32, #tpu.memory_space<vmem>>, %arg7: memref<16x768xf32, #tpu.memory_space<vmem>>, %arg8: memref<256x384xf32, #tpu.memory_space<vmem>>) attributes {dimension_semantics = [#tpu.dimension_semantics<arbitrary>], iteration_bounds = array<i64: 24>, scalar_prefetch = 2 : i64, scratch_operands = 0 : i64, tpu.core_type = #tpu.core_type<tc>, window_params = [{transform_indices = @transform_0, window_bounds = array<i64: 256, 384>}, {transform_indices = @transform_1, window_bounds = array<i64: 1, 768, 1536>}, {pipeline_mode = #tpu.pipeline_mode<synchronous>, transform_indices = @transform_2, window_bounds = array<i64: 16, 1536>}, {transform_indices = @transform_3, window_bounds = array<i64: 1, 1536, 768>}, {pipeline_mode = #tpu.pipeline_mode<synchronous>, transform_indices = @transform_4, window_bounds = array<i64: 16, 768>}, {transform_indices = @transform_5, window_bounds = array<i64: 256, 384>}]} {
    %get3A = arith.constant 0 : index
    %get3A_0 = memref.load %arg2[%get3A] : memref<1xi32, #tpu.memory_space<smem>>
    %lt3A = arith.cmpi slt, %arg0, %get3A_0 : i32
    %convert_element_type3A = arith.extui %lt3A : i1 to i32
    %cond3A = arith.constant 0 : i32
    %cond3A_1 = arith.cmpi ne, %convert_element_type3A, %cond3A : i32
    scf.if %cond3A_1 {
      %get3A_2 = arith.constant 0 : index
      %get3A_3 = arith.constant 0 : index
      %get3A_4 = vector.load %arg3[%get3A_2, %get3A_3] : memref<256x384xf32, #tpu.memory_space<vmem>>, vector<256x384xf32>
      %bitcast_convert_type3A = tpu.bitcast %get3A_4 : vector<256x384xf32> -> vector<256x384xi32>
      %shift_left3A = arith.constant 16 : i32
      %shift_left3A_5 = vector.broadcast %shift_left3A : i32 to vector<256x384xi32>
      %shift_left3A_6 = arith.shli %bitcast_convert_type3A, %shift_left3A_5 : vector<256x384xi32>
      %bitcast_convert_type3A_7 = tpu.bitcast %shift_left3A_6 : vector<256x384xi32> -> vector<256x384xf32>
      %and3A = arith.constant -65536 : i32
      %and3A_8 = vector.broadcast %and3A : i32 to vector<256x384xi32>
      %and3A_9 = arith.andi %bitcast_convert_type3A, %and3A_8 : vector<256x384xi32>
      %bitcast_convert_type3A_10 = tpu.bitcast %and3A_9 : vector<256x384xi32> -> vector<256x384xf32>
      %concatenate3A = tpu.concatenate %bitcast_convert_type3A_7, %bitcast_convert_type3A_10 in 1 : vector<256x384xf32>, vector<256x384xf32> -> vector<256x768xf32>
      %get3A_11 = arith.index_cast %arg0 : i32 to index
      %get3A_12 = memref.load %arg1[%get3A_11] : memref<24xi32, #tpu.memory_space<smem>>
      %get3A_13 = arith.constant 0 : index
      %get3A_14 = arith.constant 0 : index
      %get3A_15 = arith.constant 0 : index
      %get3A_16 = vector.load %arg4[%get3A_13, %get3A_14, %get3A_15] : memref<1x768x1536xf32, #tpu.memory_space<vmem>>, vector<1x768x1536xf32>
      %get3A_17 = vector.shape_cast %get3A_16 : vector<1x768x1536xf32> to vector<768x1536xf32>
      %dot_general3A = arith.constant dense<0.000000e+00> : vector<256x1536xf32>
      %dot_general3A_18 = tpu.matmul %concatenate3A, %get3A_17, %dot_general3A {dimension_numbers = #tpu.dot_dimension_numbers<[1], [0], [0], [1], [0, 0, 1, 1], [], []>, transpose_lhs_hint = false} : vector<256x768xf32>, vector<768x1536xf32>, vector<256x1536xf32> -> vector<256x1536xf32>
      %get3A_19 = arith.index_cast %get3A_12 : i32 to index
      %get3A_20 = arith.constant 0 : index
      %get3A_21 = vector.load %arg5[%get3A_19, %get3A_20] : memref<16x1536xf32, #tpu.memory_space<vmem>>, vector<1x1536xf32>
      %add3A = vector.broadcast %get3A_21 : vector<1x1536xf32> to vector<256x1536xf32>
      %add3A_22 = arith.addf %dot_general3A_18, %add3A : vector<256x1536xf32>
      %max3A = arith.constant 0.000000e+00 : f32
      %max3A_23 = vector.broadcast %max3A : f32 to vector<256x1536xf32>
      %max3A_24 = arith.maximumf %add3A_22, %max3A_23 : vector<256x1536xf32>
      %get3A_25 = arith.constant 0 : index
      %get3A_26 = arith.constant 0 : index
      %get3A_27 = arith.constant 0 : index
      %get3A_28 = vector.load %arg6[%get3A_25, %get3A_26, %get3A_27] : memref<1x1536x768xf32, #tpu.memory_space<vmem>>, vector<1x1536x768xf32>
      %get3A_29 = vector.shape_cast %get3A_28 : vector<1x1536x768xf32> to vector<1536x768xf32>
      %dot_general3A_30 = arith.constant dense<0.000000e+00> : vector<256x768xf32>
      %dot_general3A_31 = tpu.matmul %max3A_24, %get3A_29, %dot_general3A_30 {dimension_numbers = #tpu.dot_dimension_numbers<[1], [0], [0], [1], [0, 0, 1, 1], [], []>, transpose_lhs_hint = false} : vector<256x1536xf32>, vector<1536x768xf32>, vector<256x768xf32> -> vector<256x768xf32>
      %get3A_32 = arith.index_cast %get3A_12 : i32 to index
      %get3A_33 = arith.constant 0 : index
      %get3A_34 = vector.load %arg7[%get3A_32, %get3A_33] : memref<16x768xf32, #tpu.memory_space<vmem>>, vector<1x768xf32>
      %add3A_35 = vector.broadcast %get3A_34 : vector<1x768xf32> to vector<256x768xf32>
      %add3A_36 = arith.addf %dot_general3A_31, %add3A_35 : vector<256x768xf32>
      %slice3A = vector.extract_strided_slice %add3A_36 {offsets = [0, 0], sizes = [256, 384], strides = [1, 1]} : vector<256x768xf32> to vector<256x384xf32>
      %slice3A_37 = vector.extract_strided_slice %add3A_36 {offsets = [0, 384], sizes = [256, 384], strides = [1, 1]} : vector<256x768xf32> to vector<256x384xf32>
      %convert_element_type3A_38 = arith.truncf %slice3A : vector<256x384xf32> to vector<256x384xbf16>
      %convert_element_type3A_39 = arith.extf %convert_element_type3A_38 : vector<256x384xbf16> to vector<256x384xf32>
      %bitcast_convert_type3A_40 = tpu.bitcast %convert_element_type3A_39 : vector<256x384xf32> -> vector<256x384xi32>
      %convert_element_type3A_41 = arith.truncf %slice3A_37 : vector<256x384xf32> to vector<256x384xbf16>
      %convert_element_type3A_42 = arith.extf %convert_element_type3A_41 : vector<256x384xbf16> to vector<256x384xf32>
      %bitcast_convert_type3A_43 = tpu.bitcast %convert_element_type3A_42 : vector<256x384xf32> -> vector<256x384xi32>
      %shift_right_logical3A = arith.constant 16 : i32
      %shift_right_logical3A_44 = vector.broadcast %shift_right_logical3A : i32 to vector<256x384xi32>
      %shift_right_logical3A_45 = arith.shrui %bitcast_convert_type3A_40, %shift_right_logical3A_44 : vector<256x384xi32>
      %and3A_46 = arith.constant -65536 : i32
      %and3A_47 = vector.broadcast %and3A_46 : i32 to vector<256x384xi32>
      %and3A_48 = arith.andi %bitcast_convert_type3A_43, %and3A_47 : vector<256x384xi32>
      %or3A = arith.ori %shift_right_logical3A_45, %and3A_48 : vector<256x384xi32>
      %bitcast_convert_type3A_49 = tpu.bitcast %or3A : vector<256x384xi32> -> vector<256x384xf32>
      %swap3A = arith.constant 0 : index
      %swap3A_50 = arith.constant 0 : index
      %swap3A_51 = vector.load %arg8[%swap3A, %swap3A_50] : memref<256x384xf32, #tpu.memory_space<vmem>>, vector<256x384xf32>
      tpu.vector_store %arg8[%swap3A, %swap3A_50], %bitcast_convert_type3A_49 {strides = array<i32>} : memref<256x384xf32, #tpu.memory_space<vmem>>, vector<256x384xf32>,
    } else {
    }
    return
  }
  func.func @transform_0(%arg0: i32, %arg1: memref<24xi32, #tpu.memory_space<smem>>, %arg2: memref<1xi32, #tpu.memory_space<smem>>) -> (i32, i32) {
    %get3A = arith.constant 0 : index
    %get3A_0 = memref.load %arg2[%get3A] : memref<1xi32, #tpu.memory_space<smem>>
    %sub3A = arith.constant 1 : i32
    %sub3A_1 = arith.subi %get3A_0, %sub3A : i32
    %min3A = arith.minsi %arg0, %sub3A_1 : i32
    %c0_i32 = arith.constant 0 : i32
    %c0_i32_2 = arith.constant 0 : i32
    return %min3A, %c0_i32 : i32, i32
  }
  func.func @transform_1(%arg0: i32, %arg1: memref<24xi32, #tpu.memory_space<smem>>, %arg2: memref<1xi32, #tpu.memory_space<smem>>) -> (i32, i32, i32) {
    %get3A = arith.index_cast %arg0 : i32 to index
    %get3A_0 = memref.load %arg1[%get3A] : memref<24xi32, #tpu.memory_space<smem>>
    %c0_i32 = arith.constant 0 : i32
    %c0_i32_1 = arith.constant 0 : i32
    %c0_i32_2 = arith.constant 0 : i32
    return %get3A_0, %c0_i32, %c0_i32_1 : i32, i32, i32
  }
  func.func @transform_2(%arg0: i32, %arg1: memref<24xi32, #tpu.memory_space<smem>>, %arg2: memref<1xi32, #tpu.memory_space<smem>>) -> (i32, i32) {
    %c0_i32 = arith.constant 0 : i32
    %c0_i32_0 = arith.constant 0 : i32
    %c0_i32_1 = arith.constant 0 : i32
    return %c0_i32, %c0_i32_0 : i32, i32
  }
  func.func @transform_3(%arg0: i32, %arg1: memref<24xi32, #tpu.memory_space<smem>>, %arg2: memref<1xi32, #tpu.memory_space<smem>>) -> (i32, i32, i32) {
    %get3A = arith.index_cast %arg0 : i32 to index
    %get3A_0 = memref.load %arg1[%get3A] : memref<24xi32, #tpu.memory_space<smem>>
    %c0_i32 = arith.constant 0 : i32
    %c0_i32_1 = arith.constant 0 : i32
    %c0_i32_2 = arith.constant 0 : i32
    return %get3A_0, %c0_i32, %c0_i32_1 : i32, i32, i32
  }
  func.func @transform_4(%arg0: i32, %arg1: memref<24xi32, #tpu.memory_space<smem>>, %arg2: memref<1xi32, #tpu.memory_space<smem>>) -> (i32, i32) {
    %c0_i32 = arith.constant 0 : i32
    %c0_i32_0 = arith.constant 0 : i32
    %c0_i32_1 = arith.constant 0 : i32
    return %c0_i32, %c0_i32_0 : i32, i32
  }
  func.func @transform_5(%arg0: i32, %arg1: memref<24xi32, #tpu.memory_space<smem>>, %arg2: memref<1xi32, #tpu.memory_space<smem>>) -> (i32, i32) {
    %get3A = arith.constant 0 : index
    %get3A_0 = memref.load %arg2[%get3A] : memref<1xi32, #tpu.memory_space<smem>>
    %sub3A = arith.constant 1 : i32
    %sub3A_1 = arith.subi %get3A_0, %sub3A : i32
    %min3A = arith.minsi %arg0, %sub3A_1 : i32
    %c0_i32 = arith.constant 0 : i32
    %c0_i32_2 = arith.constant 0 : i32
    return %min3A, %c0_i32 : i32, i32
  }
}

module attributes {stable_mosaic.version = 14 : i64} {
  func.func @_gate_body(%arg0: memref<1024x768xf32, #tpu.memory_space<vmem>>, %arg1: memref<768x16xf32, #tpu.memory_space<vmem>>, %arg2: memref<1024x16xf32, #tpu.memory_space<vmem>>, %arg3: memref<1024x2xi32, #tpu.memory_space<vmem>>, %arg4: memref<1024x2xf32, #tpu.memory_space<vmem>>, %arg5: memref<16x128xi32, #tpu.memory_space<vmem>>, %arg6: memref<24x1xi32, #tpu.memory_space<vmem>>, %arg7: memref<1x1xi32, #tpu.memory_space<vmem>>, %arg8: memref<1024x384xf32, #tpu.memory_space<vmem>>) attributes {dimension_semantics = [], scalar_prefetch = 0 : i64, scratch_operands = 0 : i64, tpu.core_type = #tpu.core_type<tc>} {
    %get3A = arith.constant 0 : index
    %get3A_0 = arith.constant 0 : index
    %get3A_1 = vector.load %arg0[%get3A, %get3A_0] : memref<1024x768xf32, #tpu.memory_space<vmem>>, vector<1024x768xf32>
    %slice3A = vector.extract_strided_slice %get3A_1 {offsets = [0, 0], sizes = [1024, 384], strides = [1, 1]} : vector<1024x768xf32> to vector<1024x384xf32>
    %slice3A_2 = vector.extract_strided_slice %get3A_1 {offsets = [0, 384], sizes = [1024, 384], strides = [1, 1]} : vector<1024x768xf32> to vector<1024x384xf32>
    %convert_element_type3A = arith.truncf %slice3A : vector<1024x384xf32> to vector<1024x384xbf16>
    %convert_element_type3A_3 = arith.extf %convert_element_type3A : vector<1024x384xbf16> to vector<1024x384xf32>
    %bitcast_convert_type3A = tpu.bitcast %convert_element_type3A_3 : vector<1024x384xf32> -> vector<1024x384xi32>
    %convert_element_type3A_4 = arith.truncf %slice3A_2 : vector<1024x384xf32> to vector<1024x384xbf16>
    %convert_element_type3A_5 = arith.extf %convert_element_type3A_4 : vector<1024x384xbf16> to vector<1024x384xf32>
    %bitcast_convert_type3A_6 = tpu.bitcast %convert_element_type3A_5 : vector<1024x384xf32> -> vector<1024x384xi32>
    %shift_right_logical3A = arith.constant 16 : i32
    %shift_right_logical3A_7 = vector.broadcast %shift_right_logical3A : i32 to vector<1024x384xi32>
    %shift_right_logical3A_8 = arith.shrui %bitcast_convert_type3A, %shift_right_logical3A_7 : vector<1024x384xi32>
    %and3A = arith.constant -65536 : i32
    %and3A_9 = vector.broadcast %and3A : i32 to vector<1024x384xi32>
    %and3A_10 = arith.andi %bitcast_convert_type3A_6, %and3A_9 : vector<1024x384xi32>
    %or3A = arith.ori %shift_right_logical3A_8, %and3A_10 : vector<1024x384xi32>
    %bitcast_convert_type3A_11 = tpu.bitcast %or3A : vector<1024x384xi32> -> vector<1024x384xf32>
    %swap3A = arith.constant 0 : index
    %swap3A_12 = arith.constant 0 : index
    %swap3A_13 = vector.load %arg8[%swap3A, %swap3A_12] : memref<1024x384xf32, #tpu.memory_space<vmem>>, vector<1024x384xf32>
    tpu.vector_store %arg8[%swap3A, %swap3A_12], %bitcast_convert_type3A_11 {strides = array<i32>} : memref<1024x384xf32, #tpu.memory_space<vmem>>, vector<1024x384xf32>,
    %get3A_14 = arith.constant 0 : index
    %get3A_15 = arith.constant 0 : index
    %get3A_16 = vector.load %arg1[%get3A_14, %get3A_15] : memref<768x16xf32, #tpu.memory_space<vmem>>, vector<768x16xf32>
    %dot_general3A = arith.constant dense<0.000000e+00> : vector<1024x16xf32>
    %dot_general3A_17 = tpu.matmul %get3A_1, %get3A_16, %dot_general3A {dimension_numbers = #tpu.dot_dimension_numbers<[1], [0], [0], [1], [0, 0, 1, 1], [], []>, transpose_lhs_hint = false} : vector<1024x768xf32>, vector<768x16xf32>, vector<1024x16xf32> -> vector<1024x16xf32>
    %swap3A_18 = arith.constant 0 : index
    %swap3A_19 = arith.constant 0 : index
    %swap3A_20 = vector.load %arg2[%swap3A_18, %swap3A_19] : memref<1024x16xf32, #tpu.memory_space<vmem>>, vector<1024x16xf32>
    tpu.vector_store %arg2[%swap3A_18, %swap3A_19], %dot_general3A_17 {strides = array<i32>} : memref<1024x16xf32, #tpu.memory_space<vmem>>, vector<1024x16xf32>,
    %iota3A = tpu.iota {dimensions = array<i32: 1>} : vector<1024x16xi32>
    %reduce_max3A = arith.constant dense<0xFF800000> : vector<1024xf32>
    %reduce_max3A_21 = vector.multi_reduction <maximumf>, %dot_general3A_17, %reduce_max3A [1] : vector<1024x16xf32> to vector<1024xf32>
    %broadcast_in_dim3A = vector.shape_cast %reduce_max3A_21 : vector<1024xf32> to vector<1024x1xf32>
    %eq3A = vector.broadcast %broadcast_in_dim3A : vector<1024x1xf32> to vector<1024x16xf32>
    %eq3A_22 = arith.cmpf oeq, %dot_general3A_17, %eq3A : vector<1024x16xf32>
    %jit3A = arith.constant 16 : i32
    %broadcast_in_dim3A_23 = vector.broadcast %jit3A : i32 to vector<1024x16xi32>
    %select_n3A = arith.select %eq3A_22, %iota3A, %broadcast_in_dim3A_23 : vector<1024x16xi1>, vector<1024x16xi32>
    %reduce_min3A = arith.constant dense<2147483647> : vector<1024xi32>
    %reduce_min3A_24 = vector.multi_reduction <minsi>, %select_n3A, %reduce_min3A [1] : vector<1024x16xi32> to vector<1024xi32>
    %broadcast_in_dim3A_25 = vector.shape_cast %reduce_min3A_24 : vector<1024xi32> to vector<1024x1xi32>
    %eq3A_26 = vector.broadcast %broadcast_in_dim3A_25 : vector<1024x1xi32> to vector<1024x16xi32>
    %eq3A_27 = arith.cmpi eq, %iota3A, %eq3A_26 : vector<1024x16xi32>
    %jit3A_28 = arith.constant 0xFF800000 : f32
    %broadcast_in_dim3A_29 = vector.broadcast %jit3A_28 : f32 to vector<1024x16xf32>
    %select_n3A_30 = arith.select %eq3A_27, %broadcast_in_dim3A_29, %dot_general3A_17 : vector<1024x16xi1>, vector<1024x16xf32>
    %reduce_max3A_31 = arith.constant dense<0xFF800000> : vector<1024xf32>
    %reduce_max3A_32 = vector.multi_reduction <maximumf>, %select_n3A_30, %reduce_max3A_31 [1] : vector<1024x16xf32> to vector<1024xf32>
    %broadcast_in_dim3A_33 = vector.shape_cast %reduce_max3A_32 : vector<1024xf32> to vector<1024x1xf32>
    %eq3A_34 = vector.broadcast %broadcast_in_dim3A_33 : vector<1024x1xf32> to vector<1024x16xf32>
    %eq3A_35 = arith.cmpf oeq, %select_n3A_30, %eq3A_34 : vector<1024x16xf32>
    %jit3A_36 = arith.constant 16 : i32
    %broadcast_in_dim3A_37 = vector.broadcast %jit3A_36 : i32 to vector<1024x16xi32>
    %select_n3A_38 = arith.select %eq3A_35, %iota3A, %broadcast_in_dim3A_37 : vector<1024x16xi1>, vector<1024x16xi32>
    %reduce_min3A_39 = arith.constant dense<2147483647> : vector<1024xi32>
    %reduce_min3A_40 = vector.multi_reduction <minsi>, %select_n3A_38, %reduce_min3A_39 [1] : vector<1024x16xi32> to vector<1024xi32>
    %broadcast_in_dim3A_41 = vector.shape_cast %reduce_min3A_40 : vector<1024xi32> to vector<1024x1xi32>
    %sub3A = arith.subf %broadcast_in_dim3A_33, %broadcast_in_dim3A : vector<1024x1xf32>
    %exp3A = math.exp %sub3A : vector<1024x1xf32>
    %add3A = arith.constant 1.000000e+00 : f32
    %add3A_42 = vector.broadcast %add3A : f32 to vector<1024x1xf32>
    %add3A_43 = arith.addf %add3A_42, %exp3A : vector<1024x1xf32>
    %concatenate3A = tpu.concatenate %broadcast_in_dim3A_25, %broadcast_in_dim3A_41 in 1 : vector<1024x1xi32>, vector<1024x1xi32> -> vector<1024x2xi32>
    %swap3A_44 = arith.constant 0 : index
    %swap3A_45 = arith.constant 0 : index
    %swap3A_46 = vector.load %arg3[%swap3A_44, %swap3A_45] : memref<1024x2xi32, #tpu.memory_space<vmem>>, vector<1024x2xi32>
    tpu.vector_store %arg3[%swap3A_44, %swap3A_45], %concatenate3A {strides = array<i32>} : memref<1024x2xi32, #tpu.memory_space<vmem>>, vector<1024x2xi32>,
    %div3A = arith.constant 1.000000e+00 : f32
    %div3A_47 = vector.broadcast %div3A : f32 to vector<1024x1xf32>
    %div3A_48 = arith.divf %div3A_47, %add3A_43 : vector<1024x1xf32>
    %div3A_49 = arith.divf %exp3A, %add3A_43 : vector<1024x1xf32>
    %concatenate3A_50 = tpu.concatenate %div3A_48, %div3A_49 in 1 : vector<1024x1xf32>, vector<1024x1xf32> -> vector<1024x2xf32>
    %swap3A_51 = arith.constant 0 : index
    %swap3A_52 = arith.constant 0 : index
    %swap3A_53 = vector.load %arg4[%swap3A_51, %swap3A_52] : memref<1024x2xf32, #tpu.memory_space<vmem>>, vector<1024x2xf32>
    tpu.vector_store %arg4[%swap3A_51, %swap3A_52], %concatenate3A_50 {strides = array<i32>} : memref<1024x2xf32, #tpu.memory_space<vmem>>, vector<1024x2xf32>,
    %eq3A_54 = vector.broadcast %broadcast_in_dim3A_25 : vector<1024x1xi32> to vector<1024x16xi32>
    %eq3A_55 = arith.cmpi eq, %iota3A, %eq3A_54 : vector<1024x16xi32>
    %eq3A_56 = vector.broadcast %broadcast_in_dim3A_41 : vector<1024x1xi32> to vector<1024x16xi32>
    %eq3A_57 = arith.cmpi eq, %iota3A, %eq3A_56 : vector<1024x16xi32>
    %concatenate3A_58 = tpu.concatenate %eq3A_55, %eq3A_57 in 0 : vector<1024x16xi1>, vector<1024x16xi1> -> vector<2048x16xi1>
    %convert_element_type3A_59 = arith.extui %concatenate3A_58 : vector<2048x16xi1> to vector<2048x16xi32>
    %convert_element_type3A_60 = arith.sitofp %convert_element_type3A_59 : vector<2048x16xi32> to vector<2048x16xf32>
    %iota3A_61 = tpu.iota {dimensions = array<i32: 0>} : vector<256x256xi32>
    %iota3A_62 = tpu.iota {dimensions = array<i32: 1>} : vector<256x256xi32>
    %ge3A = arith.cmpi sge, %iota3A_61, %iota3A_62 : vector<256x256xi32>
    %convert_element_type3A_63 = arith.extui %ge3A : vector<256x256xi1> to vector<256x256xi32>
    %convert_element_type3A_64 = arith.sitofp %convert_element_type3A_63 : vector<256x256xi32> to vector<256x256xf32>
    %broadcast_in_dim3A_65 = arith.constant 0.000000e+00 : f32
    %broadcast_in_dim3A_66 = vector.broadcast %broadcast_in_dim3A_65 : f32 to vector<1x16xf32>
    %slice3A_67 = vector.extract_strided_slice %convert_element_type3A_60 {offsets = [0, 0], sizes = [256, 16], strides = [1, 1]} : vector<2048x16xf32> to vector<256x16xf32>
    %dot_general3A_68 = arith.constant dense<0.000000e+00> : vector<256x16xf32>
    %dot_general3A_69 = tpu.matmul %convert_element_type3A_64, %slice3A_67, %dot_general3A_68 {dimension_numbers = #tpu.dot_dimension_numbers<[1], [0], [0], [1], [0, 0, 1, 1], [], []>, transpose_lhs_hint = false} : vector<256x256xf32>, vector<256x16xf32>, vector<256x16xf32> -> vector<256x16xf32>
    %add3A_70 = vector.broadcast %broadcast_in_dim3A_66 : vector<1x16xf32> to vector<256x16xf32>
    %add3A_71 = arith.addf %dot_general3A_69, %add3A_70 : vector<256x16xf32>
    %slice3A_72 = vector.extract_strided_slice %add3A_71 {offsets = [255, 0], sizes = [1, 16], strides = [1, 1]} : vector<256x16xf32> to vector<1x16xf32>
    %slice3A_73 = vector.extract_strided_slice %convert_element_type3A_60 {offsets = [256, 0], sizes = [256, 16], strides = [1, 1]} : vector<2048x16xf32> to vector<256x16xf32>
    %dot_general3A_74 = arith.constant dense<0.000000e+00> : vector<256x16xf32>
    %dot_general3A_75 = tpu.matmul %convert_element_type3A_64, %slice3A_73, %dot_general3A_74 {dimension_numbers = #tpu.dot_dimension_numbers<[1], [0], [0], [1], [0, 0, 1, 1], [], []>, transpose_lhs_hint = false} : vector<256x256xf32>, vector<256x16xf32>, vector<256x16xf32> -> vector<256x16xf32>
    %add3A_76 = vector.broadcast %slice3A_72 : vector<1x16xf32> to vector<256x16xf32>
    %add3A_77 = arith.addf %dot_general3A_75, %add3A_76 : vector<256x16xf32>
    %slice3A_78 = vector.extract_strided_slice %add3A_77 {offsets = [255, 0], sizes = [1, 16], strides = [1, 1]} : vector<256x16xf32> to vector<1x16xf32>
    %slice3A_79 = vector.extract_strided_slice %convert_element_type3A_60 {offsets = [512, 0], sizes = [256, 16], strides = [1, 1]} : vector<2048x16xf32> to vector<256x16xf32>
    %dot_general3A_80 = arith.constant dense<0.000000e+00> : vector<256x16xf32>
    %dot_general3A_81 = tpu.matmul %convert_element_type3A_64, %slice3A_79, %dot_general3A_80 {dimension_numbers = #tpu.dot_dimension_numbers<[1], [0], [0], [1], [0, 0, 1, 1], [], []>, transpose_lhs_hint = false} : vector<256x256xf32>, vector<256x16xf32>, vector<256x16xf32> -> vector<256x16xf32>
    %add3A_82 = vector.broadcast %slice3A_78 : vector<1x16xf32> to vector<256x16xf32>
    %add3A_83 = arith.addf %dot_general3A_81, %add3A_82 : vector<256x16xf32>
    %slice3A_84 = vector.extract_strided_slice %add3A_83 {offsets = [255, 0], sizes = [1, 16], strides = [1, 1]} : vector<256x16xf32> to vector<1x16xf32>
    %slice3A_85 = vector.extract_strided_slice %convert_element_type3A_60 {offsets = [768, 0], sizes = [256, 16], strides = [1, 1]} : vector<2048x16xf32> to vector<256x16xf32>
    %dot_general3A_86 = arith.constant dense<0.000000e+00> : vector<256x16xf32>
    %dot_general3A_87 = tpu.matmul %convert_element_type3A_64, %slice3A_85, %dot_general3A_86 {dimension_numbers = #tpu.dot_dimension_numbers<[1], [0], [0], [1], [0, 0, 1, 1], [], []>, transpose_lhs_hint = false} : vector<256x256xf32>, vector<256x16xf32>, vector<256x16xf32> -> vector<256x16xf32>
    %add3A_88 = vector.broadcast %slice3A_84 : vector<1x16xf32> to vector<256x16xf32>
    %add3A_89 = arith.addf %dot_general3A_87, %add3A_88 : vector<256x16xf32>
    %slice3A_90 = vector.extract_strided_slice %add3A_89 {offsets = [255, 0], sizes = [1, 16], strides = [1, 1]} : vector<256x16xf32> to vector<1x16xf32>
    %slice3A_91 = vector.extract_strided_slice %convert_element_type3A_60 {offsets = [1024, 0], sizes = [256, 16], strides = [1, 1]} : vector<2048x16xf32> to vector<256x16xf32>
    %dot_general3A_92 = arith.constant dense<0.000000e+00> : vector<256x16xf32>
    %dot_general3A_93 = tpu.matmul %convert_element_type3A_64, %slice3A_91, %dot_general3A_92 {dimension_numbers = #tpu.dot_dimension_numbers<[1], [0], [0], [1], [0, 0, 1, 1], [], []>, transpose_lhs_hint = false} : vector<256x256xf32>, vector<256x16xf32>, vector<256x16xf32> -> vector<256x16xf32>
    %add3A_94 = vector.broadcast %slice3A_90 : vector<1x16xf32> to vector<256x16xf32>
    %add3A_95 = arith.addf %dot_general3A_93, %add3A_94 : vector<256x16xf32>
    %slice3A_96 = vector.extract_strided_slice %add3A_95 {offsets = [255, 0], sizes = [1, 16], strides = [1, 1]} : vector<256x16xf32> to vector<1x16xf32>
    %slice3A_97 = vector.extract_strided_slice %convert_element_type3A_60 {offsets = [1280, 0], sizes = [256, 16], strides = [1, 1]} : vector<2048x16xf32> to vector<256x16xf32>
    %dot_general3A_98 = arith.constant dense<0.000000e+00> : vector<256x16xf32>
    %dot_general3A_99 = tpu.matmul %convert_element_type3A_64, %slice3A_97, %dot_general3A_98 {dimension_numbers = #tpu.dot_dimension_numbers<[1], [0], [0], [1], [0, 0, 1, 1], [], []>, transpose_lhs_hint = false} : vector<256x256xf32>, vector<256x16xf32>, vector<256x16xf32> -> vector<256x16xf32>
    %add3A_100 = vector.broadcast %slice3A_96 : vector<1x16xf32> to vector<256x16xf32>
    %add3A_101 = arith.addf %dot_general3A_99, %add3A_100 : vector<256x16xf32>
    %slice3A_102 = vector.extract_strided_slice %add3A_101 {offsets = [255, 0], sizes = [1, 16], strides = [1, 1]} : vector<256x16xf32> to vector<1x16xf32>
    %slice3A_103 = vector.extract_strided_slice %convert_element_type3A_60 {offsets = [1536, 0], sizes = [256, 16], strides = [1, 1]} : vector<2048x16xf32> to vector<256x16xf32>
    %dot_general3A_104 = arith.constant dense<0.000000e+00> : vector<256x16xf32>
    %dot_general3A_105 = tpu.matmul %convert_element_type3A_64, %slice3A_103, %dot_general3A_104 {dimension_numbers = #tpu.dot_dimension_numbers<[1], [0], [0], [1], [0, 0, 1, 1], [], []>, transpose_lhs_hint = false} : vector<256x256xf32>, vector<256x16xf32>, vector<256x16xf32> -> vector<256x16xf32>
    %add3A_106 = vector.broadcast %slice3A_102 : vector<1x16xf32> to vector<256x16xf32>
    %add3A_107 = arith.addf %dot_general3A_105, %add3A_106 : vector<256x16xf32>
    %slice3A_108 = vector.extract_strided_slice %add3A_107 {offsets = [255, 0], sizes = [1, 16], strides = [1, 1]} : vector<256x16xf32> to vector<1x16xf32>
    %slice3A_109 = vector.extract_strided_slice %convert_element_type3A_60 {offsets = [1792, 0], sizes = [256, 16], strides = [1, 1]} : vector<2048x16xf32> to vector<256x16xf32>
    %dot_general3A_110 = arith.constant dense<0.000000e+00> : vector<256x16xf32>
    %dot_general3A_111 = tpu.matmul %convert_element_type3A_64, %slice3A_109, %dot_general3A_110 {dimension_numbers = #tpu.dot_dimension_numbers<[1], [0], [0], [1], [0, 0, 1, 1], [], []>, transpose_lhs_hint = false} : vector<256x256xf32>, vector<256x16xf32>, vector<256x16xf32> -> vector<256x16xf32>
    %add3A_112 = vector.broadcast %slice3A_108 : vector<1x16xf32> to vector<256x16xf32>
    %add3A_113 = arith.addf %dot_general3A_111, %add3A_112 : vector<256x16xf32>
    %slice3A_114 = vector.extract_strided_slice %add3A_113 {offsets = [255, 0], sizes = [1, 16], strides = [1, 1]} : vector<256x16xf32> to vector<1x16xf32>
    %concatenate3A_115 = tpu.concatenate %add3A_71, %add3A_77, %add3A_83, %add3A_89, %add3A_95, %add3A_101, %add3A_107, %add3A_113 in 0 : vector<256x16xf32>, vector<256x16xf32>, vector<256x16xf32>, vector<256x16xf32>, vector<256x16xf32>, vector<256x16xf32>, vector<256x16xf32>, vector<256x16xf32> -> vector<2048x16xf32>
    %add3A_116 = arith.constant 2.550000e+02 : f32
    %add3A_117 = vector.broadcast %add3A_116 : f32 to vector<1x16xf32>
    %add3A_118 = arith.addf %slice3A_114, %add3A_117 : vector<1x16xf32>
    %div3A_119 = arith.constant 2.560000e+02 : f32
    %div3A_120 = vector.broadcast %div3A_119 : f32 to vector<1x16xf32>
    %div3A_121 = arith.divf %add3A_118, %div3A_120 : vector<1x16xf32>
    %floor3A = math.floor %div3A_121 : vector<1x16xf32>
    %mul3A = arith.constant 2.560000e+02 : f32
    %mul3A_122 = vector.broadcast %mul3A : f32 to vector<1x16xf32>
    %mul3A_123 = arith.mulf %floor3A, %mul3A_122 : vector<1x16xf32>
    %iota3A_124 = tpu.iota {dimensions = array<i32: 0>} : vector<16x16xi32>
    %iota3A_125 = tpu.iota {dimensions = array<i32: 1>} : vector<16x16xi32>
    %lt3A = arith.cmpi slt, %iota3A_124, %iota3A_125 : vector<16x16xi32>
    %convert_element_type3A_126 = arith.extui %lt3A : vector<16x16xi1> to vector<16x16xi32>
    %convert_element_type3A_127 = arith.sitofp %convert_element_type3A_126 : vector<16x16xi32> to vector<16x16xf32>
    %dot_general3A_128 = arith.constant dense<0.000000e+00> : vector<1x16xf32>
    %dot_general3A_129 = tpu.matmul %mul3A_123, %convert_element_type3A_127, %dot_general3A_128 {dimension_numbers = #tpu.dot_dimension_numbers<[1], [0], [0], [1], [0, 0, 1, 1], [], []>, transpose_lhs_hint = false} : vector<1x16xf32>, vector<16x16xf32>, vector<1x16xf32> -> vector<1x16xf32>
    %reduce_sum3A = arith.constant dense<0.000000e+00> : vector<1xf32>
    %reduce_sum3A_130 = vector.multi_reduction <add>, %mul3A_123, %reduce_sum3A [1] : vector<1x16xf32> to vector<1xf32>
    %broadcast_in_dim3A_131 = vector.shape_cast %reduce_sum3A_130 : vector<1xf32> to vector<1x1xf32>
    %mul3A_132 = arith.mulf %convert_element_type3A_60, %concatenate3A_115 : vector<2048x16xf32>
    %reduce_sum3A_133 = arith.constant dense<0.000000e+00> : vector<2048xf32>
    %reduce_sum3A_134 = vector.multi_reduction <add>, %mul3A_132, %reduce_sum3A_133 [1] : vector<2048x16xf32> to vector<2048xf32>
    %broadcast_in_dim3A_135 = vector.shape_cast %reduce_sum3A_134 : vector<2048xf32> to vector<2048x1xf32>
    %mul3A_136 = vector.broadcast %dot_general3A_129 : vector<1x16xf32> to vector<2048x16xf32>
    %mul3A_137 = arith.mulf %convert_element_type3A_60, %mul3A_136 : vector<2048x16xf32>
    %reduce_sum3A_138 = arith.constant dense<0.000000e+00> : vector<2048xf32>
    %reduce_sum3A_139 = vector.multi_reduction <add>, %mul3A_137, %reduce_sum3A_138 [1] : vector<2048x16xf32> to vector<2048xf32>
    %broadcast_in_dim3A_140 = vector.shape_cast %reduce_sum3A_139 : vector<2048xf32> to vector<2048x1xf32>
    %sub3A_141 = arith.constant 1.000000e+00 : f32
    %sub3A_142 = vector.broadcast %sub3A_141 : f32 to vector<2048x1xf32>
    %sub3A_143 = arith.subf %broadcast_in_dim3A_135, %sub3A_142 : vector<2048x1xf32>
    %add3A_144 = arith.addf %sub3A_143, %broadcast_in_dim3A_140 : vector<2048x1xf32>
    %convert_element_type3A_145 = arith.fptosi %add3A_144 : vector<2048x1xf32> to vector<2048x1xi32>
    %reshape3A = vector.shape_cast %convert_element_type3A_145 : vector<2048x1xi32> to vector<16x128xi32>
    %swap3A_146 = arith.constant 0 : index
    %swap3A_147 = arith.constant 0 : index
    %swap3A_148 = vector.load %arg5[%swap3A_146, %swap3A_147] : memref<16x128xi32, #tpu.memory_space<vmem>>, vector<16x128xi32>
    tpu.vector_store %arg5[%swap3A_146, %swap3A_147], %reshape3A {strides = array<i32>} : memref<16x128xi32, #tpu.memory_space<vmem>>, vector<16x128xi32>,
    %iota3A_149 = tpu.iota {dimensions = array<i32: 0>} : vector<24x1xi32>
    %convert_element_type3A_150 = arith.sitofp %iota3A_149 : vector<24x1xi32> to vector<24x1xf32>
    %mul3A_151 = arith.constant 2.560000e+02 : f32
    %mul3A_152 = vector.broadcast %mul3A_151 : f32 to vector<24x1xf32>
    %mul3A_153 = arith.mulf %convert_element_type3A_150, %mul3A_152 : vector<24x1xf32>
    %sub3A_154 = arith.constant 2.560000e+02 : f32
    %sub3A_155 = vector.broadcast %sub3A_154 : f32 to vector<1x1xf32>
    %sub3A_156 = arith.subf %broadcast_in_dim3A_131, %sub3A_155 : vector<1x1xf32>
    %min3A = vector.broadcast %sub3A_156 : vector<1x1xf32> to vector<24x1xf32>
    %min3A_157 = arith.minimumf %mul3A_153, %min3A : vector<24x1xf32>
    %le3A = vector.broadcast %dot_general3A_129 : vector<1x16xf32> to vector<24x16xf32>
    %le3A_158 = vector.broadcast %min3A_157 : vector<24x1xf32> to vector<24x16xf32>
    %le3A_159 = arith.cmpf ole, %le3A, %le3A_158 : vector<24x16xf32>
    %convert_element_type3A_160 = arith.extui %le3A_159 : vector<24x16xi1> to vector<24x16xi32>
    %reduce_sum3A_161 = arith.constant dense<0> : vector<24xi32>
    %reduce_sum3A_162 = vector.multi_reduction <add>, %convert_element_type3A_160, %reduce_sum3A_161 [1] : vector<24x16xi32> to vector<24xi32>
    %broadcast_in_dim3A_163 = vector.shape_cast %reduce_sum3A_162 : vector<24xi32> to vector<24x1xi32>
    %sub3A_164 = arith.constant 1 : i32
    %sub3A_165 = vector.broadcast %sub3A_164 : i32 to vector<24x1xi32>
    %sub3A_166 = arith.subi %broadcast_in_dim3A_163, %sub3A_165 : vector<24x1xi32>
    %swap3A_167 = arith.constant 0 : index
    %swap3A_168 = arith.constant 0 : index
    %swap3A_169 = vector.load %arg6[%swap3A_167, %swap3A_168] : memref<24x1xi32, #tpu.memory_space<vmem>>, vector<24x1xi32>
    tpu.vector_store %arg6[%swap3A_167, %swap3A_168], %sub3A_166 {strides = array<i32>} : memref<24x1xi32, #tpu.memory_space<vmem>>, vector<24x1xi32>,
    %div3A_170 = arith.constant 2.560000e+02 : f32
    %div3A_171 = vector.broadcast %div3A_170 : f32 to vector<1x1xf32>
    %div3A_172 = arith.divf %broadcast_in_dim3A_131, %div3A_171 : vector<1x1xf32>
    %convert_element_type3A_173 = arith.fptosi %div3A_172 : vector<1x1xf32> to vector<1x1xi32>
    %swap3A_174 = arith.constant 0 : index
    %swap3A_175 = arith.constant 0 : index
    %swap3A_176 = vector.load %arg7[%swap3A_174, %swap3A_175] : memref<1x1xi32, #tpu.memory_space<vmem>>, vector<1x1xi32>
    tpu.vector_store %arg7[%swap3A_174, %swap3A_175], %convert_element_type3A_173 {strides = array<i32>} : memref<1x1xi32, #tpu.memory_space<vmem>>, vector<1x1xi32>,
    return
  }
}

module attributes {stable_mosaic.version = 14 : i64} {
  func.func @_combine_body(%arg0: memref<2048x384xf32, #tpu.memory_space<vmem>>, %arg1: memref<1024x2xf32, #tpu.memory_space<vmem>>, %arg2: memref<1024x768xf32, #tpu.memory_space<vmem>>) attributes {dimension_semantics = [], scalar_prefetch = 0 : i64, scratch_operands = 0 : i64, tpu.core_type = #tpu.core_type<tc>} {
    %get3A = arith.constant 0 : index
    %get3A_0 = arith.constant 0 : index
    %get3A_1 = vector.load %arg0[%get3A, %get3A_0] : memref<2048x384xf32, #tpu.memory_space<vmem>>, vector<2048x384xf32>
    %bitcast_convert_type3A = tpu.bitcast %get3A_1 : vector<2048x384xf32> -> vector<2048x384xi32>
    %shift_left3A = arith.constant 16 : i32
    %shift_left3A_2 = vector.broadcast %shift_left3A : i32 to vector<2048x384xi32>
    %shift_left3A_3 = arith.shli %bitcast_convert_type3A, %shift_left3A_2 : vector<2048x384xi32>
    %bitcast_convert_type3A_4 = tpu.bitcast %shift_left3A_3 : vector<2048x384xi32> -> vector<2048x384xf32>
    %and3A = arith.constant -65536 : i32
    %and3A_5 = vector.broadcast %and3A : i32 to vector<2048x384xi32>
    %and3A_6 = arith.andi %bitcast_convert_type3A, %and3A_5 : vector<2048x384xi32>
    %bitcast_convert_type3A_7 = tpu.bitcast %and3A_6 : vector<2048x384xi32> -> vector<2048x384xf32>
    %concatenate3A = tpu.concatenate %bitcast_convert_type3A_4, %bitcast_convert_type3A_7 in 1 : vector<2048x384xf32>, vector<2048x384xf32> -> vector<2048x768xf32>
    %get3A_8 = arith.constant 0 : index
    %get3A_9 = arith.constant 0 : index
    %get3A_10 = vector.load %arg1[%get3A_8, %get3A_9] : memref<1024x2xf32, #tpu.memory_space<vmem>>, vector<1024x1xf32>
    %slice3A = vector.extract_strided_slice %concatenate3A {offsets = [0, 0], sizes = [1024, 768], strides = [1, 1]} : vector<2048x768xf32> to vector<1024x768xf32>
    %mul3A = vector.broadcast %get3A_10 : vector<1024x1xf32> to vector<1024x768xf32>
    %mul3A_11 = arith.mulf %mul3A, %slice3A : vector<1024x768xf32>
    %get3A_12 = arith.constant 0 : index
    %get3A_13 = arith.constant 1 : index
    %get3A_14 = vector.load %arg1[%get3A_12, %get3A_13] : memref<1024x2xf32, #tpu.memory_space<vmem>>, vector<1024x1xf32>
    %slice3A_15 = vector.extract_strided_slice %concatenate3A {offsets = [1024, 0], sizes = [1024, 768], strides = [1, 1]} : vector<2048x768xf32> to vector<1024x768xf32>
    %mul3A_16 = vector.broadcast %get3A_14 : vector<1024x1xf32> to vector<1024x768xf32>
    %mul3A_17 = arith.mulf %mul3A_16, %slice3A_15 : vector<1024x768xf32>
    %add3A = arith.addf %mul3A_11, %mul3A_17 : vector<1024x768xf32>
    %swap3A = arith.constant 0 : index
    %swap3A_18 = arith.constant 0 : index
    %swap3A_19 = vector.load %arg2[%swap3A, %swap3A_18] : memref<1024x768xf32, #tpu.memory_space<vmem>>, vector<1024x768xf32>
    tpu.vector_store %arg2[%swap3A, %swap3A_18], %add3A {strides = array<i32>} : memref<1024x768xf32, #tpu.memory_space<vmem>>, vector<1024x768xf32>,
    return
  }
}

</mosaic_0001>

<sc_bundles>
// kernel: kernel.10.cloned.1.call-start
scs
__scs_entry_jumppad:
0x0: {  	(pc) =	sbr.rel $0x88, $3  }
0x1: {  	(tag) =	ssettag $0x0;
	lr =	simm.s32 $0x1  }
0x2: {  	[smem:$0x3F9B] =	sst lr;
	_ =	strace $0xD0000000  }
0x3: {  	_ = 	snop  }
0x4: {  	_ = 	snop  }
0x5: {  	_ = 	snop  }
0x6: {  	_ = 	snop  }
0x7: {  	_ = 	snop  }
__scs_overlays_trampoline_lowered:
0x8: {  	[smem:$0x3FAA] =	sst s0  }
0x9: {  	[smem:$0x3FAB] =	sst s1  }
0xa: {  	[smem:$0x3FAC] =	sst s2  }
0xb: {  	[smem:$0x3FAD] =	sst s3  }
0xc: {  	[smem:$0x3FAE] =	sst s4  }
0xd: {  	[smem:$0x3FAF] =	sst s5  }
0xe: {  	[smem:$0x3FB0] =	sst s6  }
0xf: {  	[smem:$0x3FB1] =	sst s7  }
0x10: {  	[smem:$0x3FB2] =	sst s8  }
0x11: {  	[smem:$0x3FB3] =	sst s9;
	s0 =	simm.s32 @!p0 $0x0  }
0x12: {  	s1 =	sld [smem:$0x3F99];
	s0 =	simm.s32 @p0 $0x1  }
0x13: {  	[smem:$0x3FB4] =	sst s0;
	s0 =	simm.s32 @!p1 $0x0  }
0x14: {  	s2 =	sld [smem:$0x3F98];
	s0 =	simm.s32 @p1 $0x1  }
0x15: {  	[smem:$0x3FB5] =	sst s0;
	s0 =	simm.s32 @!p2 $0x0  }
0x16: {  	s3 =	sld [smem:$0x3FDB];
	s0 =	simm.s32 @p2 $0x1  }
0x17: {  	s4 =	simm.s32 $0x1BF5;
	[smem:$0x3FB7] =	sst s0  }
0x18: {  	s0 =	sld [smem:$0x3F9A];
	_ =	swait.ge [sflag:s4], $0x0  }
0x19: {  	s7 =	sld [smem:$0x3F9B]  }
0x1a: {  	s8 =	sadd.s32 $0xFFFFE003, lr  }
0x1b: {  	s9 =	sadd.s32 $0xFFFFFEF7, lr;
	s5 =	simm.s32 $0xFFFFFFFF;
	p2 =	slt.u32 s8, $0xFFFFF086  }
0x1c: {  	p1 =	slt.u32 s9, $0xF7A;
	s5 =	simm.s32 @!p2 $0x0  }
0x1d: {  	s5 =	simm.s32 @p1 $0x1;
	p0 =	seq.s32 s7, s2  }
0x1e: {  	s7 =	smul.u32 @!p0 $0xF7A, s2;
	p2 =	seq.s32 @!p0 s5, $0x0  }
0x1f: {  	s9 =	smul.u32 $0xF7A, s1;
	s8 =	simm.s32 @!p0 $0x1BF5;
	p2 =	por !p2, p0  }
0x20: {  	[sflag:s8] =	ssyncset.s32 @!p0 $0xFFFFF086;
	s6 =	sadd.s32 @!p0 s3, s7;
	s7 =	simm.s32 @!p0 $0x108  }
0x21: {  	s3 =	sadd.s32 s3, s9;
	s6 =	sadd.s32 @!p0 $0x88, s6;
	s7 =	simm.s32 @p2 $0x1082  }
0x22: {  	[simem:s7], [sflag:s8] =	dma.local @!p0 [hbm:s6], $0xF7A  }
0x23: {  	s9 =	sor.u32 $0xD0000000, s2;
	s6 =	simm.s32 $0x108;
	_ =	swait.ge @!p0 [sflag:s8], $0x0  }
0x24: {  	s3 =	sadd.s32 $0x88, s3;
	s6 =	simm.s32 @!p1 $0x1082;
	[sflag:s4] =	ssyncset.s32 $0xFFFFF086  }
0x25: {  	[simem:s6], [sflag:s4] =	dma.local [hbm:s3], $0xF7A  }
0x26: {  	[smem:$0x3F9B] =	sst s1;
	(tag) =	ssettag s2;
	_ =	strace s9  }
0x27: {  	s1 =	sld [smem:$0x3FAB]  }
0x28: {  	s2 =	sld [smem:$0x3FAC]  }
0x29: {  	s4 =	sld [smem:$0x3FAE]  }
0x2a: {  	p0 =	seq.s32 s5, $0x0;
	s5 =	sld [smem:$0x3FAF]  }
0x2b: {  	s6 =	sld [smem:$0x3FB0]  }
0x2c: {  	s7 =	sld [smem:$0x3FB1]  }
0x2d: {  	s3 =	simm.s32 $0x108;
	s8 =	sld [smem:$0x3FB2]  }
0x2e: {  	s3 =	simm.s32 @!p0 $0x1082;
	s9 =	sld [smem:$0x3FB3]  }
0x2f: {  	lr =	sadd.s32 s0, s3;
	s0 =	sld [smem:$0x3FAA]  }
0x30: {  	s3 =	sld [smem:$0x3FAD]  }
0x31: {  	[smem:$0x3FB6] =	sst s10  }
0x32: {  	s10 =	sld [smem:$0x3FB4];
	_ =	sdelay $0x3  }
0x33: {  	p0 =	seq.s32 s10, $0x1;
	s10 =	sld [smem:$0x3FB6];
	_ =	sdelay $0x3  }
0x34: {  	[smem:$0x3FB6] =	sst s10  }
0x35: {  	s10 =	sld [smem:$0x3FB5];
	_ =	sdelay $0x3  }
0x36: {  	p1 =	seq.s32 s10, $0x1;
	s10 =	sld [smem:$0x3FB6];
	_ =	sdelay $0x3  }
0x37: {  	[smem:$0x3FB6] =	sst s10  }
0x38: {  	s10 =	sld [smem:$0x3FB7]  }
0x39: {  	_ = 	snop;
	(pc) =	sbr.ind lr, $3  }
0x3a: {  	_ = 	snop  }
0x3b: {  	_ = 	snop  }
0x3c: {  	p2 =	seq.s32 s10, $0x1;
	s10 =	sld [smem:$0x3FB6]  }
0x3d: {  	_ =	shalt  }
0x3e: {  	_ =	shalt  }
0x3f: {  	_ =	shalt  }
0x40: {  	_ =	shalt  }
0x41: {  	_ =	shalt  }
0x42: {  	_ =	shalt  }
0x43: {  	_ =	shalt  }
0x44: {  	_ =	shalt  }
0x45: {  	_ =	shalt  }
0x46: {  	_ =	shalt  }
0x47: {  	_ =	shalt  }
0x48: {  	_ =	shalt  }
0x49: {  	_ =	shalt  }
0x4a: {  	_ =	shalt  }
0x4b: {  	_ =	shalt  }
0x4c: {  	_ =	shalt  }
0x4d: {  	_ =	shalt  }
0x4e: {  	_ =	shalt  }
0x4f: {  	_ =	shalt  }
0x50: {  	_ =	shalt  }
0x51: {  	_ =	shalt  }
0x52: {  	_ =	shalt  }
0x53: {  	_ =	shalt  }
0x54: {  	_ =	shalt  }
0x55: {  	_ =	shalt  }
0x56: {  	_ =	shalt  }
0x57: {  	_ =	shalt  }
0x58: {  	_ =	shalt  }
0x59: {  	_ =	shalt  }
0x5a: {  	_ =	shalt  }
0x5b: {  	_ =	shalt  }
0x5c: {  	_ =	shalt  }
0x5d: {  	_ =	shalt  }
0x5e: {  	_ =	shalt  }
0x5f: {  	_ =	shalt  }
0x60: {  	_ =	shalt  }
0x61: {  	_ =	shalt  }
0x62: {  	_ =	shalt  }
0x63: {  	_ =	shalt  }
0x64: {  	_ =	shalt  }
0x65: {  	_ =	shalt  }
0x66: {  	_ =	shalt  }
0x67: {  	_ =	shalt  }
0x68: {  	_ =	shalt  }
0x69: {  	_ =	shalt  }
0x6a: {  	_ =	shalt  }
0x6b: {  	_ =	shalt  }
0x6c: {  	_ =	shalt  }
0x6d: {  	_ =	shalt  }
0x6e: {  	_ =	shalt  }
0x6f: {  	_ =	shalt  }
0x70: {  	_ =	shalt  }
0x71: {  	_ =	shalt  }
0x72: {  	_ =	shalt  }
0x73: {  	_ =	shalt  }
0x74: {  	_ =	shalt  }
0x75: {  	_ =	shalt  }
0x76: {  	_ =	shalt  }
0x77: {  	_ =	shalt  }
0x78: {  	_ =	shalt  }
0x79: {  	_ =	shalt  }
0x7a: {  	_ =	shalt  }
0x7b: {  	_ =	shalt  }
0x7c: {  	_ =	shalt  }
0x7d: {  	_ =	shalt  }
0x7e: {  	_ =	shalt  }
0x7f: {  	_ =	shalt  }
0x80: {  	_ =	shalt  }
0x81: {  	_ =	shalt  }
0x82: {  	_ =	shalt  }
0x83: {  	_ =	shalt  }
0x84: {  	_ =	shalt  }
0x85: {  	_ =	shalt  }
0x86: {  	_ =	shalt  }
0x87: {  	_ =	shalt  }
.Lfunc_end0:
.L_simem_size_0:
called_computation.1_lowered:
.L_overlay_start_0:
0x88: {  	s2 =	sld [smem:$0x3FD9]  }
0x89: {  	s3 =	sld [smem:$0x3FFE];
	_ =	sdelay $0x1  }
0x8a: {  	s1 =	srdreg.scid  }
0x8b: {  	s0 =	sand.u32 $0x1, s1  }
0x8c: {  	s14 =	sshll.u32 s0, $0xA;
	s2 =	sadd.s32 s3, s2  }
0x8d: {  	s2 =	sadd.s32 s2, s14  }
0x8e: {  	[smem:$0x3FC2] =	sst s2  }
0x8f: {  	_ = 	snop  }
0x90: {  	s2 =	sld [smem:$0x3FD0];
	_ =	sdelay $0x2  }
0x91: {  	s15 =	simm.s32 $0xA;
	s4 =	simm.s32 $0x10  }
0x92: {  	[smem:s4], [sflag:s15] =	dma.local [hbm:s2], $0x1  }
0x93: {  	_ =	swait.eq [sflag:s15], $0x1  }
0x94: {  	[sflag:s15] =	ssyncset.done $0x0  }
0x95: {  	[sflag:s15] =	ssyncadd.s32 $0xFFFFFFFF  }
0x96: {  	s16 =	sld [smem:$0x10];
	(tm) =	ssettm $0x1  }
0x97: {  	s17 =	sld [smem:$0x3FFB];
	_ =	sdelay $0x3  }
0x98: {  	_ =	strace s17  }
0x99: {  	s3 =	sld [smem:$0x3FFC];
	_ =	sdelay $0x3  }
0x9a: {  	_ =	strace s3  }
0x9b: {  	s3 =	sld [smem:$0x3FFD];
	_ =	sdelay $0x3  }
0x9c: {  	_ =	strace s3  }
0x9d: {  	_ =	strace $0x8FFFFFFF  }
0x9e: {  	s18 =	sld [smem:$0x3FDB];
	_ =	sdelay $0x1  }
0x9f: {  	s19 =	simm.s32 $_scs_section_size  }
0xa0: {  	s5 =	simm.s32 $_size__tile_overlayer_lowered;
	s6 =	simm.s32 $_tile_overlayer_lowered  }
0xa1: {  	s22 =	simm.s32 $0x1BFF;
	s21 =	sshll.u32 s6, $0x1;
	s3 =	sadd.s32 s19, s18  }
0xa2: {  	s7 =	simm.s32 $0x0;
	s20 =	sshll.u32 s5, $0x1;
	s5 =	sadd.s32 s21, s3  }
0xa3: {  	[timem:s7], [sflag:s22] =	dma.local [hbm:s5], s20  }
0xa4: {  	_ =	swait.ge [sflag:s22], s20  }
0xa5: {  	s4 =	ssub.s32 $0x0, s20;
	[sflag:s22] =	ssyncset.done $0x0  }
0xa6: {  	[sflag:s22] =	ssyncadd.s32 s4;
	_ =	sdelay $0x1  }
0xa7: {  	s23 =	simm.s32 $0x1B8B  }
0xa8: {  	_ =	swait.ge [sflag:s23], $0x1  }
0xa9: {  	[sflag:s23] =	ssyncset.done $0x0  }
0xaa: {  	s25 =	simm.s32 $0x1B8E;
	s24 =	sld [smem:$0x3FFE];
	[sflag:s23] =	ssyncadd.s32 $0xFFFFFFFF  }
0xab: {  	s26 =	simm.s32 $execute0_lowered;
	[smem:$0x3FD2] =	sst s25  }
0xac: {  	s5 =	sshll.u32 s26, $0x1;
	_ =	strace $0x80000049;
	[dreg:$0x1] =	wrdreg $0xFFFFFFFF  }
0xad: {  	s28 =	simm.s32 $_size_execute0_lowered;
	s3 =	sadd.s32 s3, s5;
	[dreg:$0x0] =	wrdreg $0x0  }
0xae: {  	s5 =	sshll.u32 s28, $0x1;
	[dreg:$0x2] =	wrdreg s3  }
0xaf: {  	[dreg:$0x3] =	wrdreg s5  }
0xb0: {  	[dreg:$0x4] =	wrdreg $0xC0  }
0xb1: {  	_ =	task [dreg:s7], $0x5FFFF  }
0xb2: {  	[dreg:$0x1] =	wrdreg $0xFFFFFFFF  }
0xb3: {  	[dreg:$0x0] =	wrdreg $0x60  }
0xb4: {  	[dreg:$0x2] =	wrdreg s24  }
0xb5: {  	[dreg:$0x3] =	wrdreg s16  }
0xb6: {  	[dreg:$0x4] =	wrdreg $0x9  }
0xb7: {  	_ =	task.clear_ibuf [dreg:s7], $0x5FFFF;
	_ =	strace $0x90000049  }
0xb8: {  	s29 =	simm.s32 $0x9;
	_ =	strace $0x8000004B  }
0xb9: {  	_ =	swait.ge [sflag:s29], $0x1  }
0xba: {  	[sflag:s29] =	ssyncadd.s32 $0xFFFFFFFF  }
0xbb: {  	_ =	strace $0x9000004B  }
0xbc: {  	_ =	sfence  }
0xbd: {  	s30 =	sld [smem:$0x0];
	_ =	sdelay $0x2  }
0xbe: {  	s31 =	sshll.u32 s1, $0xD;
	s1 =	sshrl.u32 s1, $0x2  }
0xbf: {  	s3 =	sand.u32 $0x4000, s31;
	s1 =	sadd.s32 s1, s30  }
0xc0: {  	s0 =	sor.u32 s3, s0;
	s1 =	sshll.u32 s1, $0x11  }
0xc1: {  	s0 =	sor.u32 s1, s0  }
0xc2: {  	s0 =	sadd.s32 $0x8F2B, s0  }
0xc3: {  	[sflag:s0] =	ssyncadd.remote.s32 $0x1  }
0xc4: {  	_ =	sfence.sel $0xFFFF  }
0xc5: {  	[dreg:$0x0] =	wrdreg $0xFFFFFFFF;
	(pc) =	sbr.abs _section_cstart, $3  }
0xc6: {  	[dreg:$0x1] =	wrdreg $0xFFFFFFFF  }
0xc7: {  	_ =	task.clear_ibuf [dreg:s7], $0x2FFFF;
	_ =	strace $0x9FFFFFFF  }
0xc8: {  	(tm) =	ssettm $0x7FFFFFFF  }
0xc9: {  	_ =	shalt  }
tec
execute0_lowered:
.L_overlay_start_1:
0x0: {  	(tag) =	ssettag $0x1  }
0x1: {  	s5 =	rddreg [dreg:$0x0]  }
0x2: {  	s6 =	rddreg [dreg:$0x1]  }
0x3: {  	s0 =	rddreg [dreg:$0x2];
	s3 =	srdreg.scid  }
0x4: {  	s2 =	simm.s32 $0x0;
	s1 =	stileid.u32;
	s11 =	simm.s32 $0xC80  }
0x5: {  	s12 =	simm.s32 $0x1480;
	s13 =	simm.s32 $0x1880;
	s14 =	simm.s32 $0x2080  }
0x6: {  	s15 =	simm.s32 $0x2480;
	s16 =	simm.s32 $0x2C80;
	s17 =	simm.s32 $0x3080  }
0x7: {  	s18 =	simm.s32 $0x3880;
	s19 =	simm.s32 $0x3C80;
	s20 =	simm.s32 $0x4480  }
0x8: {  	s21 =	simm.s32 $0x4880;
	s22 =	simm.s32 $0x5080;
	s23 =	simm.s32 $0x5480  }
0x9: {  	s24 =	simm.s32 $0x5C80;
	s25 =	simm.s32 $0x1;
	s3 =	sand.u32 $0x1, s3  }
0xa: {  	[smem:$0x7FF] =	sst s2;
	s4 =	sshll.u32 s1, $0x4;
	s7 =	sshll.u32 s3, $0x3  }
0xb: {  	_ =	strace $0x8000004A;
	s31 =	ssub.s32 $0x2, s3;
	s4 =	sor.u32 s7, s4  }
0xc: {  	s3 =	sadd.s32 $0x1800, s5;
	s9 =	sshrl.u32 s31, $0x1;
	s8 =	sadd.s32 s4, s5  }
0xd: {  	v2 =	vlaneseq.u32;
	s10 =	smul.u32 $0x180, s4;
	s7 =	ssub.s32 s31, s9;
	s5 =	sadd.s32 $0x1900, s5  }
0xe: {  	vm0 =	vmmov $0xffff;
	vm1 =	vmmov $0xff;
	v1 =	vshrl.u32 v2, $0x3;
	s9 =	simm.s32 $0x80;
	s4 =	sadd.s32 $0x1600, s8;
	s7 =	smax.u32 s7, $0x1  }
0xf: {  	v0 =	vand.u32 $0x7, v2;
	v2 =	vor.u32 $0x8, v2;
	v1 =	vmul.u32 $0x8, v1;
	s8 =	simm.s32 $0x2;
	s6 =	sadd.s32 s6, s10;
	s10 =	simm.s32 $0x880  }
.LBB2_1:
0x10: {  	[tilespmem:s2], [sflag:$0x2] =	stream.linear.gather [hbm4b:s4+s2], $0x40, $0x38;
	[tilespmem:$0x6080] =	vst v63  }
0x11: {  	_ =	swait.ge [sflag:s8], $0x40  }
0x12: {  	[sflag:s8] =	ssyncset.done $0x0  }
0x13: {  	[sflag:s8] =	ssyncadd.s32 $0xFFFFFFC0  }
0x14: {  	v3 =	vld [tilespmem:$0x0];
	_ =	sdelay $0x4  }
0x15: {  	v4 =	vshrl.u32 v3, $0x3  }
0x16: {  	v4 =	vmul.u32 $0x18, v4  }
0x17: {  	v3 =	vand.u32 $0x7, v3  }
0x18: {  	v3 =	vor.u32 v3, v4  }
0x19: {  	v4 =	vperm.xlane v3, v0;
	_ =	sdelay $0x1  }
0x1a: {  	v4 =	vadd.s32 v1, v4;
	_ =	sdelay $0x1  }
0x1b: {  	v3 =	vperm.xlane v3, v2;
	_ =	sdelay $0x1  }
0x1c: {  	v3 =	vadd.s32 v1, v3  }
0x1d: {  	[tilespmem:s9], [sflag:$0x1] =	stream.indirect_vreg.gather [hbm4b:s3+s2], $0x80, v4, vm0, $0xb8;
	[tilespmem:$0x6080] =	vst v63  }
0x1e: {  	_ = 	snop  }
0x1f: {  	[tilespmem:s10], [sflag:$0x1] =	stream.indirect_vreg.gather [hbm4b:s5+s2], $0x80, v4, vm1, $0xb8;
	[tilespmem:$0x6080] =	vst v63  }
0x20: {  	_ = 	snop  }
0x21: {  	[tilespmem:s11], [sflag:$0x1] =	stream.indirect_vreg.gather [hbm4b:s3+s2], $0x80, v3, vm0, $0xb8;
	[tilespmem:$0x6080] =	vst v63  }
0x22: {  	_ = 	snop  }
0x23: {  	[tilespmem:s12], [sflag:$0x1] =	stream.indirect_vreg.gather [hbm4b:s5+s2], $0x80, v3, vm1, $0xb8;
	[tilespmem:$0x6080] =	vst v63  }
0x24: {  	v3 =	vld [tilespmem:$0x10];
	_ =	sdelay $0x4  }
0x25: {  	v61 =	vshrl.u32 v3, $0x3  }
0x26: {  	v4 =	vmul.u32 $0x18, v61  }
0x27: {  	v3 =	vand.u32 $0x7, v3  }
0x28: {  	v3 =	vor.u32 v3, v4  }
0x29: {  	v4 =	vperm.xlane v3, v0;
	_ =	sdelay $0x1  }
0x2a: {  	v4 =	vadd.s32 v1, v4;
	_ =	sdelay $0x1  }
0x2b: {  	v3 =	vperm.xlane v3, v2;
	_ =	sdelay $0x1  }
0x2c: {  	v3 =	vadd.s32 v1, v3  }
0x2d: {  	[tilespmem:s13], [sflag:$0x1] =	stream.indirect_vreg.gather [hbm4b:s3+s2], $0x80, v4, vm0, $0xb8;
	[tilespmem:$0x6080] =	vst v63  }
0x2e: {  	_ = 	snop  }
0x2f: {  	[tilespmem:s14], [sflag:$0x1] =	stream.indirect_vreg.gather [hbm4b:s5+s2], $0x80, v4, vm1, $0xb8;
	[tilespmem:$0x6080] =	vst v63  }
0x30: {  	_ = 	snop  }
0x31: {  	[tilespmem:s15], [sflag:$0x1] =	stream.indirect_vreg.gather [hbm4b:s3+s2], $0x80, v3, vm0, $0xb8;
	[tilespmem:$0x6080] =	vst v63  }
0x32: {  	_ = 	snop  }
0x33: {  	[tilespmem:s16], [sflag:$0x1] =	stream.indirect_vreg.gather [hbm4b:s5+s2], $0x80, v3, vm1, $0xb8;
	[tilespmem:$0x6080] =	vst v63  }
0x34: {  	v3 =	vld [tilespmem:$0x20];
	_ =	sdelay $0x4  }
0x35: {  	v62 =	vshrl.u32 v3, $0x3  }
0x36: {  	v4 =	vmul.u32 $0x18, v62  }
0x37: {  	v3 =	vand.u32 $0x7, v3  }
0x38: {  	v3 =	vor.u32 v3, v4  }
0x39: {  	v4 =	vperm.xlane v3, v0;
	_ =	sdelay $0x1  }
0x3a: {  	v4 =	vadd.s32 v1, v4;
	_ =	sdelay $0x1  }
0x3b: {  	v3 =	vperm.xlane v3, v2;
	_ =	sdelay $0x1  }
0x3c: {  	v3 =	vadd.s32 v1, v3  }
0x3d: {  	[tilespmem:s17], [sflag:$0x1] =	stream.indirect_vreg.gather [hbm4b:s3+s2], $0x80, v4, vm0, $0xb8;
	[tilespmem:$0x6080] =	vst v63  }
0x3e: {  	_ = 	snop  }
0x3f: {  	[tilespmem:s18], [sflag:$0x1] =	stream.indirect_vreg.gather [hbm4b:s5+s2], $0x80, v4, vm1, $0xb8;
	[tilespmem:$0x6080] =	vst v63  }
0x40: {  	_ = 	snop  }
0x41: {  	[tilespmem:s19], [sflag:$0x1] =	stream.indirect_vreg.gather [hbm4b:s3+s2], $0x80, v3, vm0, $0xb8;
	[tilespmem:$0x6080] =	vst v63  }
0x42: {  	_ = 	snop  }
0x43: {  	[tilespmem:s20], [sflag:$0x1] =	stream.indirect_vreg.gather [hbm4b:s5+s2], $0x80, v3, vm1, $0xb8;
	[tilespmem:$0x6080] =	vst v63  }
0x44: {  	v3 =	vld [tilespmem:$0x30];
	_ =	sdelay $0x4  }
0x45: {  	v63 =	vshrl.u32 v3, $0x3  }
0x46: {  	v4 =	vmul.u32 $0x18, v63  }
0x47: {  	v3 =	vand.u32 $0x7, v3  }
0x48: {  	v3 =	vor.u32 v3, v4  }
0x49: {  	v4 =	vperm.xlane v3, v0;
	_ =	sdelay $0x1  }
0x4a: {  	v4 =	vadd.s32 v1, v4;
	_ =	sdelay $0x1  }
0x4b: {  	v3 =	vperm.xlane v3, v2;
	_ =	sdelay $0x1  }
0x4c: {  	v3 =	vadd.s32 v1, v3  }
0x4d: {  	[tilespmem:s21], [sflag:$0x1] =	stream.indirect_vreg.gather [hbm4b:s3+s2], $0x80, v4, vm0, $0xb8;
	[tilespmem:$0x6080] =	vst v63  }
0x4e: {  	_ = 	snop  }
0x4f: {  	[tilespmem:s22], [sflag:$0x1] =	stream.indirect_vreg.gather [hbm4b:s5+s2], $0x80, v4, vm1, $0xb8;
	[tilespmem:$0x6080] =	vst v63  }
0x50: {  	_ = 	snop  }
0x51: {  	[tilespmem:s23], [sflag:$0x1] =	stream.indirect_vreg.gather [hbm4b:s3+s2], $0x80, v3, vm0, $0xb8;
	[tilespmem:$0x6080] =	vst v63  }
0x52: {  	_ = 	snop  }
0x53: {  	[tilespmem:s24], [sflag:$0x1] =	stream.indirect_vreg.gather [hbm4b:s5+s2], $0x80, v3, vm1, $0xb8;
	[tilespmem:$0x6080] =	vst v63  }
0x54: {  	_ =	swait.ge [sflag:s25], $0x6000  }
0x55: {  	p0 =	sne.s32 s7, $0x1;
	[sflag:s25] =	ssyncset.done $0x0  }
.Ltmp0:
0x56: {  	[sflag:s25] =	ssyncadd.s32 $0xFFFFA000;
	(pc) =	sbr.rel @p0 .LBB2_1-.Ltmp0, $4  }
0x57: {  	[hbm4b:s6+s2] =	stream.linear.scatter [tilespmem:s9], [sflag:$0x2], $0x6000, $0x38;
	[tilespmem:$0x6080] =	vst v63  }
0x58: {  	_ =	swait.ge [sflag:s8], $0x6000  }
0x59: {  	[sflag:s8] =	ssyncset.done $0x0  }
0x5a: {  	s7 =	sadd.s32 $0xFFFFFFFF, s7;
	[sflag:s8] =	ssyncadd.s32 $0xFFFFA000  }
0x5b: {  	_ =	sfence.sel $0x180000  }
0x5c: {  	[bflag:$0x0] =	sbarrier.arrive $0xFFFF  }
0x5d: {  	p0 =	sne.s32 s1, $0x0;
	_ =	strace $0x9000004A  }
0x5e: {  	s0 =	sadd.s32 @!p0 $0x100000, s0;
	[bflag:$0x2] =	sbarrier.arrive $0xFFFF  }
0x5f: {  	[sflag:s0] =	ssyncadd.tile.s32 @!p0 $0x1;
	_ =	shalt  }
.Lfunc_end2:
_tile_overlayer_lowered:
.L_overlay_start_2:
0x60: {  	(tag) =	ssettag $0x2  }
0x61: {  	s0 =	rddreg [dreg:$0x0];
	s2 =	stileid.u32  }
0x62: {  	s1 =	rddreg [dreg:$0x1];
	p0 =	sne.s32 s2, $0x0  }
0x63: {  	s3 =	rddreg [dreg:$0x2];
	[bflag:$0x3] =	sbarrier.arrive $0xFFFF;
	s2 =	simm.s32 @!p0 $0x1C02  }
0x64: {  	[timem:s3], [sflag:s2] =	dma.local @!p0 [hbm:s0], s1  }
0x65: {  	s0 =	simm.s32 @!p0 $0x2  }
0x66: {  	_ =	swait.ge @!p0 [sflag:s0], s1  }
0x67: {  	s1 =	ssub.s32 @!p0 $0x0, s1;
	[sflag:s0] =	ssyncset.done @!p0 $0x0  }
0x68: {  	[sflag:s0] =	ssyncadd.s32 @!p0 s1  }
0x69: {  	[bflag:$0x3] =	sbarrier.arrive $0xFFFF  }
0x6a: {  	_ =	shalt  }

// kernel: kernel.7.cloned.1.call-start
scs
__scs_entry_jumppad:
0x0: {  	(pc) =	sbr.rel $0x88, $3  }
0x1: {  	(tag) =	ssettag $0x0;
	lr =	simm.s32 $0x1  }
0x2: {  	[smem:$0x3F9B] =	sst lr;
	_ =	strace $0xD0000000  }
0x3: {  	_ = 	snop  }
0x4: {  	_ = 	snop  }
0x5: {  	_ = 	snop  }
0x6: {  	_ = 	snop  }
0x7: {  	_ = 	snop  }
__scs_overlays_trampoline_lowered:
0x8: {  	[smem:$0x3FAA] =	sst s0  }
0x9: {  	[smem:$0x3FAB] =	sst s1  }
0xa: {  	[smem:$0x3FAC] =	sst s2  }
0xb: {  	[smem:$0x3FAD] =	sst s3  }
0xc: {  	[smem:$0x3FAE] =	sst s4  }
0xd: {  	[smem:$0x3FAF] =	sst s5  }
0xe: {  	[smem:$0x3FB0] =	sst s6  }
0xf: {  	[smem:$0x3FB1] =	sst s7  }
0x10: {  	[smem:$0x3FB2] =	sst s8  }
0x11: {  	[smem:$0x3FB3] =	sst s9;
	s0 =	simm.s32 @!p0 $0x0  }
0x12: {  	s1 =	sld [smem:$0x3F99];
	s0 =	simm.s32 @p0 $0x1  }
0x13: {  	[smem:$0x3FB4] =	sst s0;
	s0 =	simm.s32 @!p1 $0x0  }
0x14: {  	s2 =	sld [smem:$0x3F98];
	s0 =	simm.s32 @p1 $0x1  }
0x15: {  	[smem:$0x3FB5] =	sst s0;
	s0 =	simm.s32 @!p2 $0x0  }
0x16: {  	s3 =	sld [smem:$0x3FDB];
	s0 =	simm.s32 @p2 $0x1  }
0x17: {  	s4 =	simm.s32 $0x1BF5;
	[smem:$0x3FB7] =	sst s0  }
0x18: {  	s0 =	sld [smem:$0x3F9A];
	_ =	swait.ge [sflag:s4], $0x0  }
0x19: {  	s7 =	sld [smem:$0x3F9B]  }
0x1a: {  	s8 =	sadd.s32 $0xFFFFE003, lr  }
0x1b: {  	s9 =	sadd.s32 $0xFFFFFEF7, lr;
	s5 =	simm.s32 $0xFFFFFFFF;
	p2 =	slt.u32 s8, $0xFFFFF086  }
0x1c: {  	p1 =	slt.u32 s9, $0xF7A;
	s5 =	simm.s32 @!p2 $0x0  }
0x1d: {  	s5 =	simm.s32 @p1 $0x1;
	p0 =	seq.s32 s7, s2  }
0x1e: {  	s7 =	smul.u32 @!p0 $0xF7A, s2;
	p2 =	seq.s32 @!p0 s5, $0x0  }
0x1f: {  	s9 =	smul.u32 $0xF7A, s1;
	s8 =	simm.s32 @!p0 $0x1BF5;
	p2 =	por !p2, p0  }
0x20: {  	[sflag:s8] =	ssyncset.s32 @!p0 $0xFFFFF086;
	s6 =	sadd.s32 @!p0 s3, s7;
	s7 =	simm.s32 @!p0 $0x108  }
0x21: {  	s3 =	sadd.s32 s3, s9;
	s6 =	sadd.s32 @!p0 $0x88, s6;
	s7 =	simm.s32 @p2 $0x1082  }
0x22: {  	[simem:s7], [sflag:s8] =	dma.local @!p0 [hbm:s6], $0xF7A  }
0x23: {  	s9 =	sor.u32 $0xD0000000, s2;
	s6 =	simm.s32 $0x108;
	_ =	swait.ge @!p0 [sflag:s8], $0x0  }
0x24: {  	s3 =	sadd.s32 $0x88, s3;
	s6 =	simm.s32 @!p1 $0x1082;
	[sflag:s4] =	ssyncset.s32 $0xFFFFF086  }
0x25: {  	[simem:s6], [sflag:s4] =	dma.local [hbm:s3], $0xF7A  }
0x26: {  	[smem:$0x3F9B] =	sst s1;
	(tag) =	ssettag s2;
	_ =	strace s9  }
0x27: {  	s1 =	sld [smem:$0x3FAB]  }
0x28: {  	s2 =	sld [smem:$0x3FAC]  }
0x29: {  	s4 =	sld [smem:$0x3FAE]  }
0x2a: {  	p0 =	seq.s32 s5, $0x0;
	s5 =	sld [smem:$0x3FAF]  }
0x2b: {  	s6 =	sld [smem:$0x3FB0]  }
0x2c: {  	s7 =	sld [smem:$0x3FB1]  }
0x2d: {  	s3 =	simm.s32 $0x108;
	s8 =	sld [smem:$0x3FB2]  }
0x2e: {  	s3 =	simm.s32 @!p0 $0x1082;
	s9 =	sld [smem:$0x3FB3]  }
0x2f: {  	lr =	sadd.s32 s0, s3;
	s0 =	sld [smem:$0x3FAA]  }
0x30: {  	s3 =	sld [smem:$0x3FAD]  }
0x31: {  	[smem:$0x3FB6] =	sst s10  }
0x32: {  	s10 =	sld [smem:$0x3FB4];
	_ =	sdelay $0x3  }
0x33: {  	p0 =	seq.s32 s10, $0x1;
	s10 =	sld [smem:$0x3FB6];
	_ =	sdelay $0x3  }
0x34: {  	[smem:$0x3FB6] =	sst s10  }
0x35: {  	s10 =	sld [smem:$0x3FB5];
	_ =	sdelay $0x3  }
0x36: {  	p1 =	seq.s32 s10, $0x1;
	s10 =	sld [smem:$0x3FB6];
	_ =	sdelay $0x3  }
0x37: {  	[smem:$0x3FB6] =	sst s10  }
0x38: {  	s10 =	sld [smem:$0x3FB7]  }
0x39: {  	_ = 	snop;
	(pc) =	sbr.ind lr, $3  }
0x3a: {  	_ = 	snop  }
0x3b: {  	_ = 	snop  }
0x3c: {  	p2 =	seq.s32 s10, $0x1;
	s10 =	sld [smem:$0x3FB6]  }
0x3d: {  	_ =	shalt  }
0x3e: {  	_ =	shalt  }
0x3f: {  	_ =	shalt  }
0x40: {  	_ =	shalt  }
0x41: {  	_ =	shalt  }
0x42: {  	_ =	shalt  }
0x43: {  	_ =	shalt  }
0x44: {  	_ =	shalt  }
0x45: {  	_ =	shalt  }
0x46: {  	_ =	shalt  }
0x47: {  	_ =	shalt  }
0x48: {  	_ =	shalt  }
0x49: {  	_ =	shalt  }
0x4a: {  	_ =	shalt  }
0x4b: {  	_ =	shalt  }
0x4c: {  	_ =	shalt  }
0x4d: {  	_ =	shalt  }
0x4e: {  	_ =	shalt  }
0x4f: {  	_ =	shalt  }
0x50: {  	_ =	shalt  }
0x51: {  	_ =	shalt  }
0x52: {  	_ =	shalt  }
0x53: {  	_ =	shalt  }
0x54: {  	_ =	shalt  }
0x55: {  	_ =	shalt  }
0x56: {  	_ =	shalt  }
0x57: {  	_ =	shalt  }
0x58: {  	_ =	shalt  }
0x59: {  	_ =	shalt  }
0x5a: {  	_ =	shalt  }
0x5b: {  	_ =	shalt  }
0x5c: {  	_ =	shalt  }
0x5d: {  	_ =	shalt  }
0x5e: {  	_ =	shalt  }
0x5f: {  	_ =	shalt  }
0x60: {  	_ =	shalt  }
0x61: {  	_ =	shalt  }
0x62: {  	_ =	shalt  }
0x63: {  	_ =	shalt  }
0x64: {  	_ =	shalt  }
0x65: {  	_ =	shalt  }
0x66: {  	_ =	shalt  }
0x67: {  	_ =	shalt  }
0x68: {  	_ =	shalt  }
0x69: {  	_ =	shalt  }
0x6a: {  	_ =	shalt  }
0x6b: {  	_ =	shalt  }
0x6c: {  	_ =	shalt  }
0x6d: {  	_ =	shalt  }
0x6e: {  	_ =	shalt  }
0x6f: {  	_ =	shalt  }
0x70: {  	_ =	shalt  }
0x71: {  	_ =	shalt  }
0x72: {  	_ =	shalt  }
0x73: {  	_ =	shalt  }
0x74: {  	_ =	shalt  }
0x75: {  	_ =	shalt  }
0x76: {  	_ =	shalt  }
0x77: {  	_ =	shalt  }
0x78: {  	_ =	shalt  }
0x79: {  	_ =	shalt  }
0x7a: {  	_ =	shalt  }
0x7b: {  	_ =	shalt  }
0x7c: {  	_ =	shalt  }
0x7d: {  	_ =	shalt  }
0x7e: {  	_ =	shalt  }
0x7f: {  	_ =	shalt  }
0x80: {  	_ =	shalt  }
0x81: {  	_ =	shalt  }
0x82: {  	_ =	shalt  }
0x83: {  	_ =	shalt  }
0x84: {  	_ =	shalt  }
0x85: {  	_ =	shalt  }
0x86: {  	_ =	shalt  }
0x87: {  	_ =	shalt  }
.Lfunc_end0:
.L_simem_size_0:
called_computation_lowered:
.L_overlay_start_0:
0x88: {  	s2 =	sld [smem:$0x3FD9]  }
0x89: {  	s3 =	sld [smem:$0x3FFE];
	_ =	sdelay $0x1  }
0x8a: {  	s1 =	srdreg.scid  }
0x8b: {  	s0 =	sand.u32 $0x1, s1  }
0x8c: {  	s14 =	sshll.u32 s0, $0xA;
	s2 =	sadd.s32 s3, s2  }
0x8d: {  	s2 =	sadd.s32 s2, s14  }
0x8e: {  	[smem:$0x3FC2] =	sst s2  }
0x8f: {  	_ = 	snop  }
0x90: {  	s2 =	sld [smem:$0x3FD0];
	_ =	sdelay $0x2  }
0x91: {  	s15 =	simm.s32 $0xA;
	s4 =	simm.s32 $0x10  }
0x92: {  	[smem:s4], [sflag:s15] =	dma.local [hbm:s2], $0x1  }
0x93: {  	_ =	swait.eq [sflag:s15], $0x1  }
0x94: {  	[sflag:s15] =	ssyncset.done $0x0  }
0x95: {  	[sflag:s15] =	ssyncadd.s32 $0xFFFFFFFF  }
0x96: {  	s16 =	sld [smem:$0x10];
	(tm) =	ssettm $0x1  }
0x97: {  	s17 =	sld [smem:$0x3FFB];
	_ =	sdelay $0x3  }
0x98: {  	_ =	strace s17  }
0x99: {  	s3 =	sld [smem:$0x3FFC];
	_ =	sdelay $0x3  }
0x9a: {  	_ =	strace s3  }
0x9b: {  	s3 =	sld [smem:$0x3FFD];
	_ =	sdelay $0x3  }
0x9c: {  	_ =	strace s3  }
0x9d: {  	_ =	strace $0x8FFFFFFF  }
0x9e: {  	s18 =	sld [smem:$0x3FDB];
	_ =	sdelay $0x1  }
0x9f: {  	s19 =	simm.s32 $_scs_section_size  }
0xa0: {  	s5 =	simm.s32 $_size__tile_overlayer_lowered;
	s6 =	simm.s32 $_tile_overlayer_lowered  }
0xa1: {  	s22 =	simm.s32 $0x1BFF;
	s21 =	sshll.u32 s6, $0x1;
	s3 =	sadd.s32 s19, s18  }
0xa2: {  	s7 =	simm.s32 $0x0;
	s20 =	sshll.u32 s5, $0x1;
	s5 =	sadd.s32 s21, s3  }
0xa3: {  	[timem:s7], [sflag:s22] =	dma.local [hbm:s5], s20  }
0xa4: {  	_ =	swait.ge [sflag:s22], s20  }
0xa5: {  	s4 =	ssub.s32 $0x0, s20;
	[sflag:s22] =	ssyncset.done $0x0  }
0xa6: {  	[sflag:s22] =	ssyncadd.s32 s4;
	_ =	sdelay $0x1  }
0xa7: {  	s23 =	simm.s32 $0x1B8B  }
0xa8: {  	_ =	swait.ge [sflag:s23], $0x1  }
0xa9: {  	[sflag:s23] =	ssyncset.done $0x0  }
0xaa: {  	s25 =	simm.s32 $0x1B8E;
	s24 =	sld [smem:$0x3FFE];
	[sflag:s23] =	ssyncadd.s32 $0xFFFFFFFF  }
0xab: {  	s26 =	simm.s32 $execute0_lowered;
	[smem:$0x3FD2] =	sst s25  }
0xac: {  	s5 =	sshll.u32 s26, $0x1;
	_ =	strace $0x80000046;
	[dreg:$0x1] =	wrdreg $0xFFFFFFFF  }
0xad: {  	s28 =	simm.s32 $_size_execute0_lowered;
	s3 =	sadd.s32 s3, s5;
	[dreg:$0x0] =	wrdreg $0x0  }
0xae: {  	s5 =	sshll.u32 s28, $0x1;
	[dreg:$0x2] =	wrdreg s3  }
0xaf: {  	[dreg:$0x3] =	wrdreg s5  }
0xb0: {  	[dreg:$0x4] =	wrdreg $0xC0  }
0xb1: {  	_ =	task [dreg:s7], $0x5FFFF  }
0xb2: {  	[dreg:$0x1] =	wrdreg $0xFFFFFFFF  }
0xb3: {  	[dreg:$0x0] =	wrdreg $0x60  }
0xb4: {  	[dreg:$0x2] =	wrdreg s16  }
0xb5: {  	[dreg:$0x3] =	wrdreg s24  }
0xb6: {  	[dreg:$0x4] =	wrdreg $0x9  }
0xb7: {  	_ =	task.clear_ibuf [dreg:s7], $0x5FFFF;
	_ =	strace $0x90000046  }
0xb8: {  	s29 =	simm.s32 $0x9;
	_ =	strace $0x80000048  }
0xb9: {  	_ =	swait.ge [sflag:s29], $0x1  }
0xba: {  	[sflag:s29] =	ssyncadd.s32 $0xFFFFFFFF  }
0xbb: {  	_ =	strace $0x90000048  }
0xbc: {  	_ =	sfence  }
0xbd: {  	s30 =	sld [smem:$0x0];
	_ =	sdelay $0x2  }
0xbe: {  	s31 =	sshll.u32 s1, $0xD;
	s1 =	sshrl.u32 s1, $0x2  }
0xbf: {  	s3 =	sand.u32 $0x4000, s31;
	s1 =	sadd.s32 s1, s30  }
0xc0: {  	s0 =	sor.u32 s3, s0;
	s1 =	sshll.u32 s1, $0x11  }
0xc1: {  	s0 =	sor.u32 s1, s0  }
0xc2: {  	s0 =	sadd.s32 $0x8F2B, s0  }
0xc3: {  	[sflag:s0] =	ssyncadd.remote.s32 $0x1  }
0xc4: {  	_ =	sfence.sel $0xFFFF  }
0xc5: {  	[dreg:$0x0] =	wrdreg $0xFFFFFFFF;
	(pc) =	sbr.abs _section_cstart, $3  }
0xc6: {  	[dreg:$0x1] =	wrdreg $0xFFFFFFFF  }
0xc7: {  	_ =	task.clear_ibuf [dreg:s7], $0x2FFFF;
	_ =	strace $0x9FFFFFFF  }
0xc8: {  	(tm) =	ssettm $0x7FFFFFFF  }
0xc9: {  	_ =	shalt  }
tec
execute0_lowered:
.L_overlay_start_1:
0x0: {  	(tag) =	ssettag $0x1  }
0x1: {  	s5 =	rddreg [dreg:$0x0]  }
0x2: {  	s6 =	rddreg [dreg:$0x1];
	s2 =	srdreg.scid  }
0x3: {  	s0 =	rddreg [dreg:$0x2];
	s1 =	stileid.u32  }
0x4: {  	s10 =	simm.s32 $0x880;
	s11 =	simm.s32 $0xC80;
	s12 =	simm.s32 $0x1480  }
0x5: {  	s13 =	simm.s32 $0x1880;
	s14 =	simm.s32 $0x2080;
	s15 =	simm.s32 $0x2480  }
0x6: {  	s16 =	simm.s32 $0x2C80;
	s17 =	simm.s32 $0x3080;
	s18 =	simm.s32 $0x3880  }
0x7: {  	s19 =	simm.s32 $0x3C80;
	s20 =	simm.s32 $0x4480;
	s21 =	simm.s32 $0x4880  }
0x8: {  	s22 =	simm.s32 $0x5080;
	s23 =	simm.s32 $0x5480;
	s24 =	simm.s32 $0x5C80  }
0x9: {  	s25 =	simm.s32 $0x1;
	s3 =	sand.u32 $0x1, s2;
	s2 =	simm.s32 $0x0  }
0xa: {  	s4 =	sshll.u32 s1, $0x4;
	s7 =	sshll.u32 s3, $0x3;
	[smem:$0x7FF] =	sst s2  }
0xb: {  	s30 =	ssub.s32 $0x2, s3;
	s3 =	sadd.s32 $0x1800, s6;
	s4 =	sor.u32 s7, s4  }
0xc: {  	_ =	strace $0x80000047;
	s8 =	sshrl.u32 s30, $0x1;
	s31 =	sand.u32 $0x78, s4  }
0xd: {  	v2 =	vlaneseq.u32;
	s4 =	sadd.s32 s4, s6;
	s7 =	ssub.s32 s30, s8;
	s9 =	smul.u32 $0x180, s31  }
0xe: {  	vm0 =	vmmov $0xffff;
	vm1 =	vmmov $0xff;
	v1 =	vshrl.u32 v2, $0x3;
	s6 =	sadd.s32 $0x1900, s6;
	s8 =	simm.s32 $0x2;
	s4 =	sadd.s32 $0x1600, s4  }
0xf: {  	v0 =	vand.u32 $0x7, v2;
	v2 =	vor.u32 $0x8, v2;
	v1 =	vmul.u32 $0x8, v1;
	s7 =	smax.u32 s7, $0x1;
	s5 =	sadd.s32 s5, s9;
	s9 =	simm.s32 $0x80  }
.LBB2_1:
0x10: {  	[tilespmem:s2], [sflag:$0x2] =	stream.linear.gather [hbm4b:s4+s2], $0x40, $0x38;
	[tilespmem:$0x6080] =	vst v63  }
0x11: {  	_ =	swait.ge [sflag:s8], $0x40  }
0x12: {  	[sflag:s8] =	ssyncset.done $0x0  }
0x13: {  	[sflag:s8] =	ssyncadd.s32 $0xFFFFFFC0  }
0x14: {  	[tilespmem:s9], [sflag:$0x2] =	stream.linear.gather [hbm4b:s5+s2], $0x6000, $0x38;
	[tilespmem:$0x6080] =	vst v63  }
0x15: {  	_ =	swait.ge [sflag:s8], $0x6000  }
0x16: {  	[sflag:s8] =	ssyncset.done $0x0  }
0x17: {  	[sflag:s8] =	ssyncadd.s32 $0xFFFFA000  }
0x18: {  	v3 =	vld [tilespmem:$0x0];
	_ =	sdelay $0x4  }
0x19: {  	v4 =	vshrl.u32 v3, $0x3  }
0x1a: {  	v4 =	vmul.u32 $0x18, v4  }
0x1b: {  	v3 =	vand.u32 $0x7, v3  }
0x1c: {  	v3 =	vor.u32 v3, v4  }
0x1d: {  	v4 =	vperm.xlane v3, v0;
	_ =	sdelay $0x1  }
0x1e: {  	v4 =	vadd.s32 v1, v4;
	_ =	sdelay $0x1  }
0x1f: {  	v3 =	vperm.xlane v3, v2;
	_ =	sdelay $0x1  }
0x20: {  	v3 =	vadd.s32 v1, v3  }
0x21: {  	[hbm4b:s3+s2] =	stream.indirect_vreg.scatter [tilespmem:s9], [sflag:$0x1], $0x80, v4, vm0, $0xb8;
	[tilespmem:$0x6080] =	vst v63  }
0x22: {  	_ = 	snop  }
0x23: {  	[hbm4b:s6+s2] =	stream.indirect_vreg.scatter [tilespmem:s10], [sflag:$0x1], $0x80, v4, vm1, $0xb8;
	[tilespmem:$0x6080] =	vst v63  }
0x24: {  	_ = 	snop  }
0x25: {  	[hbm4b:s3+s2] =	stream.indirect_vreg.scatter [tilespmem:s11], [sflag:$0x1], $0x80, v3, vm0, $0xb8;
	[tilespmem:$0x6080] =	vst v63  }
0x26: {  	_ = 	snop  }
0x27: {  	[hbm4b:s6+s2] =	stream.indirect_vreg.scatter [tilespmem:s12], [sflag:$0x1], $0x80, v3, vm1, $0xb8;
	[tilespmem:$0x6080] =	vst v63  }
0x28: {  	v3 =	vld [tilespmem:$0x10];
	_ =	sdelay $0x4  }
0x29: {  	v61 =	vshrl.u32 v3, $0x3  }
0x2a: {  	v4 =	vmul.u32 $0x18, v61  }
0x2b: {  	v3 =	vand.u32 $0x7, v3  }
0x2c: {  	v3 =	vor.u32 v3, v4  }
0x2d: {  	v4 =	vperm.xlane v3, v0;
	_ =	sdelay $0x1  }
0x2e: {  	v4 =	vadd.s32 v1, v4;
	_ =	sdelay $0x1  }
0x2f: {  	v3 =	vperm.xlane v3, v2;
	_ =	sdelay $0x1  }
0x30: {  	v3 =	vadd.s32 v1, v3  }
0x31: {  	[hbm4b:s3+s2] =	stream.indirect_vreg.scatter [tilespmem:s13], [sflag:$0x1], $0x80, v4, vm0, $0xb8;
	[tilespmem:$0x6080] =	vst v63  }
0x32: {  	_ = 	snop  }
0x33: {  	[hbm4b:s6+s2] =	stream.indirect_vreg.scatter [tilespmem:s14], [sflag:$0x1], $0x80, v4, vm1, $0xb8;
	[tilespmem:$0x6080] =	vst v63  }
0x34: {  	_ = 	snop  }
0x35: {  	[hbm4b:s3+s2] =	stream.indirect_vreg.scatter [tilespmem:s15], [sflag:$0x1], $0x80, v3, vm0, $0xb8;
	[tilespmem:$0x6080] =	vst v63  }
0x36: {  	_ = 	snop  }
0x37: {  	[hbm4b:s6+s2] =	stream.indirect_vreg.scatter [tilespmem:s16], [sflag:$0x1], $0x80, v3, vm1, $0xb8;
	[tilespmem:$0x6080] =	vst v63  }
0x38: {  	v3 =	vld [tilespmem:$0x20];
	_ =	sdelay $0x4  }
0x39: {  	v62 =	vshrl.u32 v3, $0x3  }
0x3a: {  	v4 =	vmul.u32 $0x18, v62  }
0x3b: {  	v3 =	vand.u32 $0x7, v3  }
0x3c: {  	v3 =	vor.u32 v3, v4  }
0x3d: {  	v4 =	vperm.xlane v3, v0;
	_ =	sdelay $0x1  }
0x3e: {  	v4 =	vadd.s32 v1, v4;
	_ =	sdelay $0x1  }
0x3f: {  	v3 =	vperm.xlane v3, v2;
	_ =	sdelay $0x1  }
0x40: {  	v3 =	vadd.s32 v1, v3  }
0x41: {  	[hbm4b:s3+s2] =	stream.indirect_vreg.scatter [tilespmem:s17], [sflag:$0x1], $0x80, v4, vm0, $0xb8;
	[tilespmem:$0x6080] =	vst v63  }
0x42: {  	_ = 	snop  }
0x43: {  	[hbm4b:s6+s2] =	stream.indirect_vreg.scatter [tilespmem:s18], [sflag:$0x1], $0x80, v4, vm1, $0xb8;
	[tilespmem:$0x6080] =	vst v63  }
0x44: {  	_ = 	snop  }
0x45: {  	[hbm4b:s3+s2] =	stream.indirect_vreg.scatter [tilespmem:s19], [sflag:$0x1], $0x80, v3, vm0, $0xb8;
	[tilespmem:$0x6080] =	vst v63  }
0x46: {  	_ = 	snop  }
0x47: {  	[hbm4b:s6+s2] =	stream.indirect_vreg.scatter [tilespmem:s20], [sflag:$0x1], $0x80, v3, vm1, $0xb8;
	[tilespmem:$0x6080] =	vst v63  }
0x48: {  	v3 =	vld [tilespmem:$0x30];
	_ =	sdelay $0x4  }
0x49: {  	v63 =	vshrl.u32 v3, $0x3  }
0x4a: {  	v4 =	vmul.u32 $0x18, v63  }
0x4b: {  	v3 =	vand.u32 $0x7, v3  }
0x4c: {  	v3 =	vor.u32 v3, v4  }
0x4d: {  	v4 =	vperm.xlane v3, v0;
	_ =	sdelay $0x1  }
0x4e: {  	v4 =	vadd.s32 v1, v4;
	_ =	sdelay $0x1  }
0x4f: {  	v3 =	vperm.xlane v3, v2;
	_ =	sdelay $0x1  }
0x50: {  	v3 =	vadd.s32 v1, v3  }
0x51: {  	[hbm4b:s3+s2] =	stream.indirect_vreg.scatter [tilespmem:s21], [sflag:$0x1], $0x80, v4, vm0, $0xb8;
	[tilespmem:$0x6080] =	vst v63  }
0x52: {  	_ = 	snop  }
0x53: {  	[hbm4b:s6+s2] =	stream.indirect_vreg.scatter [tilespmem:s22], [sflag:$0x1], $0x80, v4, vm1, $0xb8;
	[tilespmem:$0x6080] =	vst v63  }
0x54: {  	p0 =	sne.s32 s7, $0x1  }
0x55: {  	[hbm4b:s3+s2] =	stream.indirect_vreg.scatter [tilespmem:s23], [sflag:$0x1], $0x80, v3, vm0, $0xb8;
	[tilespmem:$0x6080] =	vst v63  }
.Ltmp0:
0x56: {  	_ = 	snop;
	(pc) =	sbr.rel @p0 .LBB2_1-.Ltmp0, $4  }
0x57: {  	[hbm4b:s6+s2] =	stream.indirect_vreg.scatter [tilespmem:s24], [sflag:$0x1], $0x80, v3, vm1, $0xb8;
	[tilespmem:$0x6080] =	vst v63  }
0x58: {  	_ =	swait.ge [sflag:s25], $0x6000  }
0x59: {  	[sflag:s25] =	ssyncset.done $0x0  }
0x5a: {  	s7 =	sadd.s32 $0xFFFFFFFF, s7;
	[sflag:s25] =	ssyncadd.s32 $0xFFFFA000  }
0x5b: {  	_ =	sfence.sel $0x180000  }
0x5c: {  	[bflag:$0x0] =	sbarrier.arrive $0xFFFF  }
0x5d: {  	p0 =	sne.s32 s1, $0x0;
	_ =	strace $0x90000047  }
0x5e: {  	s0 =	sadd.s32 @!p0 $0x100000, s0;
	[bflag:$0x2] =	sbarrier.arrive $0xFFFF  }
0x5f: {  	[sflag:s0] =	ssyncadd.tile.s32 @!p0 $0x1;
	_ =	shalt  }
.Lfunc_end2:
_tile_overlayer_lowered:
.L_overlay_start_2:
0x60: {  	(tag) =	ssettag $0x2  }
0x61: {  	s0 =	rddreg [dreg:$0x0];
	s2 =	stileid.u32  }
0x62: {  	s1 =	rddreg [dreg:$0x1];
	p0 =	sne.s32 s2, $0x0  }
0x63: {  	s3 =	rddreg [dreg:$0x2];
	[bflag:$0x3] =	sbarrier.arrive $0xFFFF;
	s2 =	simm.s32 @!p0 $0x1C02  }
0x64: {  	[timem:s3], [sflag:s2] =	dma.local @!p0 [hbm:s0], s1  }
0x65: {  	s0 =	simm.s32 @!p0 $0x2  }
0x66: {  	_ =	swait.ge @!p0 [sflag:s0], s1  }
0x67: {  	s1 =	ssub.s32 @!p0 $0x0, s1;
	[sflag:s0] =	ssyncset.done @!p0 $0x0  }
0x68: {  	[sflag:s0] =	ssyncadd.s32 @!p0 s1  }
0x69: {  	[bflag:$0x3] =	sbarrier.arrive $0xFFFF  }
0x6a: {  	_ =	shalt  }

</sc_bundles>
